<compile_context>
chip_gen: v7x
topology: tpu7x:2x2x1
jax: 0.10.2.dev20260603
libtpu: 0.0.44.dev20260713+nightly
codegen_flags: <defaults>
</compile_context>

<pallas_src>
import functools

import jax
import jax.numpy as jnp
from jax.experimental import pallas as pl
from jax.experimental.pallas import tpu as pltpu
from jax.experimental.pallas import tpu_sc as plsc

_PAD = 0
_W = 128
_GP = 2
_NB = 3
_NC = 2
_NS = 16


def _gather_sc(table, idx2d):
    n_win, w = idx2d.shape
    emb = table.shape[1]
    n_idx = n_win * w
    nw = _NC * _NS
    n = n_win // (nw * _GP)
    pr = _GP * w
    mesh = plsc.VectorSubcoreMesh(core_axis_name="core",
                                  subcore_axis_name="subcore")

    @functools.partial(
        pl.kernel,
        out_type=jax.ShapeDtypeStruct((n_idx, emb), table.dtype),
        mesh=mesh,
        scratch_types=(
            [pltpu.VMEM((n * _GP, w), jnp.int32),
             pltpu.VMEM((_NB * pr, emb), table.dtype)]
            + [pltpu.SemaphoreType.DMA for _ in range(2 * _NB)]
        ),
    )
    def k(x_hbm, i_hbm, o_hbm, idx_v, buf, *sems):
        gsems = sems[:_NB]
        ssems = sems[_NB:]
        wid = jax.lax.axis_index("subcore") * _NC + jax.lax.axis_index("core")
        row0 = wid * n * pr

        pltpu.sync_copy(i_hbm.at[pl.ds(wid * n * _GP, n * _GP)], idx_v)

        def issue_gathers(s, p):
            for h in range(_GP):
                pltpu.async_copy(x_hbm.at[idx_v.at[s * _GP + h]],
                                 buf.at[pl.ds(p * pr + h * w, w)], gsems[p])

        def wait_gathers(p):
            for h in range(_GP):
                pltpu.make_async_copy(x_hbm.at[idx_v.at[0]],
                                     buf.at[pl.ds(p * pr + h * w, w)],
                                     gsems[p]).wait()

        def issue_store(s, p):
            pltpu.async_copy(buf.at[pl.ds(p * pr, pr)],
                             o_hbm.at[pl.ds(row0 + s * pr, pr)], ssems[p])

        def wait_store(p):
            pltpu.make_async_copy(buf.at[pl.ds(p * pr, pr)],
                                  o_hbm.at[pl.ds(0, pr)], ssems[p]).wait()

        for s in range(_NB - 1):
            issue_gathers(s, s % _NB)

        for s in range(_NB):
            wait_gathers(s % _NB)
            issue_store(s, s % _NB)
            p2 = (s + _NB - 1) % _NB
            if s >= 1:
                wait_store(p2)
            if s + _NB - 1 < n:
                issue_gathers(s + _NB - 1, p2)

        n_main = ((n - (_NB - 1) - _NB) // _NB) * _NB

        @pl.loop(0, n_main, step=_NB)
        def _(t):
            for b in range(_NB):
                s = _NB + t + b
                wait_gathers(b)
                issue_store(s, b)
                p2 = (b + _NB - 1) % _NB
                wait_store(p2)
                issue_gathers(s + _NB - 1, p2)

        for s in range(_NB + n_main, n):
            wait_gathers(s % _NB)
            issue_store(s, s % _NB)
            if s + _NB - 1 < n:
                wait_store((s + _NB - 1) % _NB)
                issue_gathers(s + _NB - 1, (s + _NB - 1) % _NB)

        for p in range(_NB):
            wait_store(p)

    return k(table, idx2d)


def _mask_len_tc(inputs):
    b, l = inputs.shape

    def body(x_ref, m_ref, len_ref):
        x = x_ref[...]
        m = x != _PAD
        m_ref[...] = m
        len_ref[...] = jnp.sum(m.astype(jnp.int32), axis=1, keepdims=True)

    return pl.pallas_call(
        body,
        out_shape=(jax.ShapeDtypeStruct((b, l), jnp.bool_),
                   jax.ShapeDtypeStruct((b, 1), jnp.int32)),
    )(inputs)


def kernel(table, inputs):
    b, l = inputs.shape
    emb = table.shape[1]
    idx2d = inputs.reshape(b * l // _W, _W)
    emb_flat = _gather_sc(table, idx2d)
    masks, lengths = _mask_len_tc(inputs)
    return emb_flat.reshape(b, l, emb), lengths.reshape(b), masks

# --- scband reference (transcript-rebuilt; emitter-appended) ---
"""Pipeline reference for scband-embedding-1683627180886 (READ-ONLY COPY).

The authoritative reference and input builder live on the scoring server;
editing this copy changes nothing except your own understanding.
"""

import jax, jax.numpy as jnp
import numpy as np

VOCAB = 100000
EMB = 128
BATCH = 4096
HIST = 200
PADDING_IDX = 0


def setup_inputs(seed: int = 0) -> dict:
    key = jax.random.key(seed)
    k1, k2 = jax.random.split(key)
    inputs = jax.random.randint(k1, (BATCH, HIST), 0, VOCAB, dtype=jnp.int64 if jax.config.jax_enable_x64 else jnp.int32).astype(jnp.int32)
    table = jax.random.normal(k2, (VOCAB, EMB), dtype=jnp.float32)
    # nn.Embedding zeroes the padding_idx row at init
    table = table.at[PADDING_IDX].set(0.0)
    return {"table": table, "inputs": inputs}


def reference(table, inputs):
    # emb lookup (dropout in eval mode == identity)
    emb_out = jnp.take(table, inputs, axis=0)  # [B, L, E]
    masks = inputs != PADDING_IDX              # [B, L] bool
    lengths = masks.sum(axis=-1)               # [B]
    # emb_out[:, :inputs.size(-1)] is a no-op slice; masks[:, :L] likewise
    return (emb_out, lengths, masks)

if __name__ == "__main__":
    import jax
    _d = setup_inputs()
    print(jax.jit(kernel)(*tuple(_d.values())))

</pallas_src>

<mosaic_0001>
#map = affine_map<(d0, d1) -> (0, 0)>
module attributes {stable_mosaic.version = 14 : i64} {
  func.func @k(%arg0: i32, %arg1: i32, %arg2: memref<100000x128xf32, #tpu.memory_space<hbm>>, %arg3: memref<6400x128xi32, #tpu.memory_space<hbm>>, %arg4: memref<819200x128xf32, #tpu.memory_space<hbm>>, %arg5: memref<200x128xi32, #tpu.memory_space<vmem>>, %arg6: memref<768x128xf32, #tpu.memory_space<vmem>>, %arg7: memref<!tpu.dma_semaphore, #tpu.memory_space<semaphore_mem>>, %arg8: memref<!tpu.dma_semaphore, #tpu.memory_space<semaphore_mem>>, %arg9: memref<!tpu.dma_semaphore, #tpu.memory_space<semaphore_mem>>, %arg10: memref<!tpu.dma_semaphore, #tpu.memory_space<semaphore_mem>>, %arg11: memref<!tpu.dma_semaphore, #tpu.memory_space<semaphore_mem>>, %arg12: memref<!tpu.dma_semaphore, #tpu.memory_space<semaphore_mem>>) attributes {dimension_semantics = [#tpu.dimension_semantics<core_parallel>, #tpu.dimension_semantics<subcore_parallel>], iteration_bounds = array<i64: 2, 16>, scalar_prefetch = 0 : i64, scratch_operands = 8 : i64, tpu.core_type = #tpu.core_type<sc_vector_subcore>, window_params = [{transform_indices = #map}, {transform_indices = #map}, {transform_indices = #map}]} {
    %mul3A = arith.constant 2 : i32
    %mul3A_0 = arith.muli %arg1, %mul3A : i32
    %add3A = arith.addi %mul3A_0, %arg0 : i32
    %mul3A_1 = arith.constant 100 : i32
    %mul3A_2 = arith.muli %add3A, %mul3A_1 : i32
    %mul3A_3 = arith.constant 256 : i32
    %mul3A_4 = arith.muli %mul3A_2, %mul3A_3 : i32
    %mul3A_5 = arith.constant 100 : i32
    %mul3A_6 = arith.muli %add3A, %mul3A_5 : i32
    %mul3A_7 = arith.constant 2 : i32
    %mul3A_8 = arith.muli %mul3A_6, %mul3A_7 : i32
    "tpu.region"() ({
      %run_scoped3A = tpu.sem_alloc : memref<!tpu.dma_semaphore, #tpu.memory_space<semaphore_mem>>
      %dma_start3A_459 = arith.constant 0 : i32
      %dma_start3A_460 = tpu.memref_slice %arg3[%mul3A_8, %dma_start3A_459] : memref<6400x128xi32, #tpu.memory_space<hbm>> -> memref<200x128xi32, #tpu.memory_space<hbm>>
      %dma_start3A_461 = arith.constant 0 : i32
      %dma_start3A_462 = tpu.memref_slice %arg3[%mul3A_8, %dma_start3A_461] : memref<6400x128xi32, #tpu.memory_space<hbm>> -> memref<200x128xi32, #tpu.memory_space<hbm>>
      tpu.enqueue_dma source(%dma_start3A_462 : memref<200x128xi32, #tpu.memory_space<hbm>>) target(%arg5 : memref<200x128xi32, #tpu.memory_space<vmem>>) target_semaphore(%run_scoped3A : memref<!tpu.dma_semaphore, #tpu.memory_space<semaphore_mem>>)
      %dma_wait3A_463 = arith.constant 0 : i32
      %dma_wait3A_464 = tpu.memref_slice %arg3[%mul3A_8, %dma_wait3A_463] : memref<6400x128xi32, #tpu.memory_space<hbm>> -> memref<200x128xi32, #tpu.memory_space<hbm>>
      %dma_wait3A_465 = arith.constant 0 : i32
      %dma_wait3A_466 = tpu.memref_slice %arg3[%mul3A_8, %dma_wait3A_465] : memref<6400x128xi32, #tpu.memory_space<hbm>> -> memref<200x128xi32, #tpu.memory_space<hbm>>
      tpu.wait_dma2 semaphore(%run_scoped3A : memref<!tpu.dma_semaphore, #tpu.memory_space<semaphore_mem>>) src(%dma_wait3A_466 : memref<200x128xi32, #tpu.memory_space<hbm>>) dst(%arg5 : memref<200x128xi32, #tpu.memory_space<vmem>>)
      tpu.yield
    }) : () -> ()
    %dma_start3A = arith.constant 0 : i32
    %dma_start3A_9 = arith.constant 0 : i32
    %dma_start3A_10 = arith.constant 0 : i32
    %dma_start3A_11 = tpu.memref_slice %arg6[%dma_start3A_9, %dma_start3A_10] : memref<768x128xf32, #tpu.memory_space<vmem>> -> memref<128x128xf32, #tpu.memory_space<vmem>>
    %dma_start3A_12 = arith.constant 0 : i32
    %dma_start3A_13 = tpu.memref_slice %arg5[%dma_start3A, %dma_start3A_12] : memref<200x128xi32, #tpu.memory_space<vmem>> -> memref<1x128xi32, #tpu.memory_space<vmem>>
    %dma_start3A_14 = tpu.memref_squeeze %dma_start3A_13 : memref<1x128xi32, #tpu.memory_space<vmem>> -> memref<128xi32, #tpu.memory_space<vmem>>
    %dma_start3A_15 = arith.constant 0 : i32
    %dma_start3A_16 = arith.constant 0 : i32
    %dma_start3A_17 = tpu.memref_slice %arg2[%dma_start3A_15, %dma_start3A_16] : memref<100000x128xf32, #tpu.memory_space<hbm>> -> memref<100000x128xf32, #tpu.memory_space<hbm>>
    tpu.enqueue_indirect_dma source(%dma_start3A_17 : memref<100000x128xf32, #tpu.memory_space<hbm>>) target(%dma_start3A_11 : memref<128x128xf32, #tpu.memory_space<vmem>>) offsets(%dma_start3A_14 : memref<128xi32, #tpu.memory_space<vmem>>) semaphore(%arg7 : memref<!tpu.dma_semaphore, #tpu.memory_space<semaphore_mem>>)
    %dma_start3A_18 = arith.constant 1 : i32
    %dma_start3A_19 = arith.constant 128 : i32
    %dma_start3A_20 = arith.constant 0 : i32
    %dma_start3A_21 = tpu.memref_slice %arg6[%dma_start3A_19, %dma_start3A_20] : memref<768x128xf32, #tpu.memory_space<vmem>> -> memref<128x128xf32, #tpu.memory_space<vmem>>
    %dma_start3A_22 = arith.constant 0 : i32
    %dma_start3A_23 = tpu.memref_slice %arg5[%dma_start3A_18, %dma_start3A_22] : memref<200x128xi32, #tpu.memory_space<vmem>> -> memref<1x128xi32, #tpu.memory_space<vmem>>
    %dma_start3A_24 = tpu.memref_squeeze %dma_start3A_23 : memref<1x128xi32, #tpu.memory_space<vmem>> -> memref<128xi32, #tpu.memory_space<vmem>>
    %dma_start3A_25 = arith.constant 0 : i32
    %dma_start3A_26 = arith.constant 0 : i32
    %dma_start3A_27 = tpu.memref_slice %arg2[%dma_start3A_25, %dma_start3A_26] : memref<100000x128xf32, #tpu.memory_space<hbm>> -> memref<100000x128xf32, #tpu.memory_space<hbm>>
    tpu.enqueue_indirect_dma source(%dma_start3A_27 : memref<100000x128xf32, #tpu.memory_space<hbm>>) target(%dma_start3A_21 : memref<128x128xf32, #tpu.memory_space<vmem>>) offsets(%dma_start3A_24 : memref<128xi32, #tpu.memory_space<vmem>>) semaphore(%arg7 : memref<!tpu.dma_semaphore, #tpu.memory_space<semaphore_mem>>)
    %dma_start3A_28 = arith.constant 2 : i32
    %dma_start3A_29 = arith.constant 256 : i32
    %dma_start3A_30 = arith.constant 0 : i32
    %dma_start3A_31 = tpu.memref_slice %arg6[%dma_start3A_29, %dma_start3A_30] : memref<768x128xf32, #tpu.memory_space<vmem>> -> memref<128x128xf32, #tpu.memory_space<vmem>>
    %dma_start3A_32 = arith.constant 0 : i32
    %dma_start3A_33 = tpu.memref_slice %arg5[%dma_start3A_28, %dma_start3A_32] : memref<200x128xi32, #tpu.memory_space<vmem>> -> memref<1x128xi32, #tpu.memory_space<vmem>>
    %dma_start3A_34 = tpu.memref_squeeze %dma_start3A_33 : memref<1x128xi32, #tpu.memory_space<vmem>> -> memref<128xi32, #tpu.memory_space<vmem>>
    %dma_start3A_35 = arith.constant 0 : i32
    %dma_start3A_36 = arith.constant 0 : i32
    %dma_start3A_37 = tpu.memref_slice %arg2[%dma_start3A_35, %dma_start3A_36] : memref<100000x128xf32, #tpu.memory_space<hbm>> -> memref<100000x128xf32, #tpu.memory_space<hbm>>
    tpu.enqueue_indirect_dma source(%dma_start3A_37 : memref<100000x128xf32, #tpu.memory_space<hbm>>) target(%dma_start3A_31 : memref<128x128xf32, #tpu.memory_space<vmem>>) offsets(%dma_start3A_34 : memref<128xi32, #tpu.memory_space<vmem>>) semaphore(%arg8 : memref<!tpu.dma_semaphore, #tpu.memory_space<semaphore_mem>>)
    %dma_start3A_38 = arith.constant 3 : i32
    %dma_start3A_39 = arith.constant 384 : i32
    %dma_start3A_40 = arith.constant 0 : i32
    %dma_start3A_41 = tpu.memref_slice %arg6[%dma_start3A_39, %dma_start3A_40] : memref<768x128xf32, #tpu.memory_space<vmem>> -> memref<128x128xf32, #tpu.memory_space<vmem>>
    %dma_start3A_42 = arith.constant 0 : i32
    %dma_start3A_43 = tpu.memref_slice %arg5[%dma_start3A_38, %dma_start3A_42] : memref<200x128xi32, #tpu.memory_space<vmem>> -> memref<1x128xi32, #tpu.memory_space<vmem>>
    %dma_start3A_44 = tpu.memref_squeeze %dma_start3A_43 : memref<1x128xi32, #tpu.memory_space<vmem>> -> memref<128xi32, #tpu.memory_space<vmem>>
    %dma_start3A_45 = arith.constant 0 : i32
    %dma_start3A_46 = arith.constant 0 : i32
    %dma_start3A_47 = tpu.memref_slice %arg2[%dma_start3A_45, %dma_start3A_46] : memref<100000x128xf32, #tpu.memory_space<hbm>> -> memref<100000x128xf32, #tpu.memory_space<hbm>>
    tpu.enqueue_indirect_dma source(%dma_start3A_47 : memref<100000x128xf32, #tpu.memory_space<hbm>>) target(%dma_start3A_41 : memref<128x128xf32, #tpu.memory_space<vmem>>) offsets(%dma_start3A_44 : memref<128xi32, #tpu.memory_space<vmem>>) semaphore(%arg8 : memref<!tpu.dma_semaphore, #tpu.memory_space<semaphore_mem>>)
    %dma_wait3A = arith.constant 0 : i32
    %dma_wait3A_48 = arith.constant 0 : i32
    %dma_wait3A_49 = arith.constant 0 : i32
    %dma_wait3A_50 = tpu.memref_slice %arg6[%dma_wait3A_48, %dma_wait3A_49] : memref<768x128xf32, #tpu.memory_space<vmem>> -> memref<128x128xf32, #tpu.memory_space<vmem>>
    %dma_wait3A_51 = arith.constant 0 : i32
    %dma_wait3A_52 = tpu.memref_slice %arg5[%dma_wait3A, %dma_wait3A_51] : memref<200x128xi32, #tpu.memory_space<vmem>> -> memref<1x128xi32, #tpu.memory_space<vmem>>
    %dma_wait3A_53 = tpu.memref_squeeze %dma_wait3A_52 : memref<1x128xi32, #tpu.memory_space<vmem>> -> memref<128xi32, #tpu.memory_space<vmem>>
    %dma_wait3A_54 = arith.constant 0 : i32
    %dma_wait3A_55 = arith.constant 0 : i32
    %dma_wait3A_56 = tpu.memref_slice %arg2[%dma_wait3A_54, %dma_wait3A_55] : memref<100000x128xf32, #tpu.memory_space<hbm>> -> memref<100000x128xf32, #tpu.memory_space<hbm>>
    tpu.wait_indirect_dma semaphore(%arg7 : memref<!tpu.dma_semaphore, #tpu.memory_space<semaphore_mem>>) src(%dma_wait3A_56 : memref<100000x128xf32, #tpu.memory_space<hbm>>) dst(%dma_wait3A_50 : memref<128x128xf32, #tpu.memory_space<vmem>>)
    %dma_wait3A_57 = arith.constant 0 : i32
    %dma_wait3A_58 = arith.constant 128 : i32
    %dma_wait3A_59 = arith.constant 0 : i32
    %dma_wait3A_60 = tpu.memref_slice %arg6[%dma_wait3A_58, %dma_wait3A_59] : memref<768x128xf32, #tpu.memory_space<vmem>> -> memref<128x128xf32, #tpu.memory_space<vmem>>
    %dma_wait3A_61 = arith.constant 0 : i32
    %dma_wait3A_62 = tpu.memref_slice %arg5[%dma_wait3A_57, %dma_wait3A_61] : memref<200x128xi32, #tpu.memory_space<vmem>> -> memref<1x128xi32, #tpu.memory_space<vmem>>
    %dma_wait3A_63 = tpu.memref_squeeze %dma_wait3A_62 : memref<1x128xi32, #tpu.memory_space<vmem>> -> memref<128xi32, #tpu.memory_space<vmem>>
    %dma_wait3A_64 = arith.constant 0 : i32
    %dma_wait3A_65 = arith.constant 0 : i32
    %dma_wait3A_66 = tpu.memref_slice %arg2[%dma_wait3A_64, %dma_wait3A_65] : memref<100000x128xf32, #tpu.memory_space<hbm>> -> memref<100000x128xf32, #tpu.memory_space<hbm>>
    tpu.wait_indirect_dma semaphore(%arg7 : memref<!tpu.dma_semaphore, #tpu.memory_space<semaphore_mem>>) src(%dma_wait3A_66 : memref<100000x128xf32, #tpu.memory_space<hbm>>) dst(%dma_wait3A_60 : memref<128x128xf32, #tpu.memory_space<vmem>>)
    %add3A_67 = arith.constant 0 : i32
    %add3A_68 = arith.addi %mul3A_4, %add3A_67 : i32
    %dma_start3A_69 = arith.constant 0 : i32
    %dma_start3A_70 = arith.constant 0 : i32
    %dma_start3A_71 = tpu.memref_slice %arg6[%dma_start3A_69, %dma_start3A_70] : memref<768x128xf32, #tpu.memory_space<vmem>> -> memref<256x128xf32, #tpu.memory_space<vmem>>
    %dma_start3A_72 = arith.constant 0 : i32
    %dma_start3A_73 = tpu.memref_slice %arg4[%add3A_68, %dma_start3A_72] : memref<819200x128xf32, #tpu.memory_space<hbm>> -> memref<256x128xf32, #tpu.memory_space<hbm>>
    %dma_start3A_74 = arith.constant 0 : i32
    %dma_start3A_75 = tpu.memref_slice %arg4[%add3A_68, %dma_start3A_74] : memref<819200x128xf32, #tpu.memory_space<hbm>> -> memref<256x128xf32, #tpu.memory_space<hbm>>
    %dma_start3A_76 = arith.constant 0 : i32
    %dma_start3A_77 = arith.constant 0 : i32
    %dma_start3A_78 = tpu.memref_slice %arg6[%dma_start3A_76, %dma_start3A_77] : memref<768x128xf32, #tpu.memory_space<vmem>> -> memref<256x128xf32, #tpu.memory_space<vmem>>
    tpu.enqueue_dma source(%dma_start3A_78 : memref<256x128xf32, #tpu.memory_space<vmem>>) target(%dma_start3A_75 : memref<256x128xf32, #tpu.memory_space<hbm>>) target_semaphore(%arg10 : memref<!tpu.dma_semaphore, #tpu.memory_space<semaphore_mem>>)
    %dma_start3A_79 = arith.constant 4 : i32
    %dma_start3A_80 = arith.constant 512 : i32
    %dma_start3A_81 = arith.constant 0 : i32
    %dma_start3A_82 = tpu.memref_slice %arg6[%dma_start3A_80, %dma_start3A_81] : memref<768x128xf32, #tpu.memory_space<vmem>> -> memref<128x128xf32, #tpu.memory_space<vmem>>
    %dma_start3A_83 = arith.constant 0 : i32
    %dma_start3A_84 = tpu.memref_slice %arg5[%dma_start3A_79, %dma_start3A_83] : memref<200x128xi32, #tpu.memory_space<vmem>> -> memref<1x128xi32, #tpu.memory_space<vmem>>
    %dma_start3A_85 = tpu.memref_squeeze %dma_start3A_84 : memref<1x128xi32, #tpu.memory_space<vmem>> -> memref<128xi32, #tpu.memory_space<vmem>>
    %dma_start3A_86 = arith.constant 0 : i32
    %dma_start3A_87 = arith.constant 0 : i32
    %dma_start3A_88 = tpu.memref_slice %arg2[%dma_start3A_86, %dma_start3A_87] : memref<100000x128xf32, #tpu.memory_space<hbm>> -> memref<100000x128xf32, #tpu.memory_space<hbm>>
    tpu.enqueue_indirect_dma source(%dma_start3A_88 : memref<100000x128xf32, #tpu.memory_space<hbm>>) target(%dma_start3A_82 : memref<128x128xf32, #tpu.memory_space<vmem>>) offsets(%dma_start3A_85 : memref<128xi32, #tpu.memory_space<vmem>>) semaphore(%arg9 : memref<!tpu.dma_semaphore, #tpu.memory_space<semaphore_mem>>)
    %dma_start3A_89 = arith.constant 5 : i32
    %dma_start3A_90 = arith.constant 640 : i32
    %dma_start3A_91 = arith.constant 0 : i32
    %dma_start3A_92 = tpu.memref_slice %arg6[%dma_start3A_90, %dma_start3A_91] : memref<768x128xf32, #tpu.memory_space<vmem>> -> memref<128x128xf32, #tpu.memory_space<vmem>>
    %dma_start3A_93 = arith.constant 0 : i32
    %dma_start3A_94 = tpu.memref_slice %arg5[%dma_start3A_89, %dma_start3A_93] : memref<200x128xi32, #tpu.memory_space<vmem>> -> memref<1x128xi32, #tpu.memory_space<vmem>>
    %dma_start3A_95 = tpu.memref_squeeze %dma_start3A_94 : memref<1x128xi32, #tpu.memory_space<vmem>> -> memref<128xi32, #tpu.memory_space<vmem>>
    %dma_start3A_96 = arith.constant 0 : i32
    %dma_start3A_97 = arith.constant 0 : i32
    %dma_start3A_98 = tpu.memref_slice %arg2[%dma_start3A_96, %dma_start3A_97] : memref<100000x128xf32, #tpu.memory_space<hbm>> -> memref<100000x128xf32, #tpu.memory_space<hbm>>
    tpu.enqueue_indirect_dma source(%dma_start3A_98 : memref<100000x128xf32, #tpu.memory_space<hbm>>) target(%dma_start3A_92 : memref<128x128xf32, #tpu.memory_space<vmem>>) offsets(%dma_start3A_95 : memref<128xi32, #tpu.memory_space<vmem>>) semaphore(%arg9 : memref<!tpu.dma_semaphore, #tpu.memory_space<semaphore_mem>>)
    %dma_wait3A_99 = arith.constant 0 : i32
    %dma_wait3A_100 = arith.constant 256 : i32
    %dma_wait3A_101 = arith.constant 0 : i32
    %dma_wait3A_102 = tpu.memref_slice %arg6[%dma_wait3A_100, %dma_wait3A_101] : memref<768x128xf32, #tpu.memory_space<vmem>> -> memref<128x128xf32, #tpu.memory_space<vmem>>
    %dma_wait3A_103 = arith.constant 0 : i32
    %dma_wait3A_104 = tpu.memref_slice %arg5[%dma_wait3A_99, %dma_wait3A_103] : memref<200x128xi32, #tpu.memory_space<vmem>> -> memref<1x128xi32, #tpu.memory_space<vmem>>
    %dma_wait3A_105 = tpu.memref_squeeze %dma_wait3A_104 : memref<1x128xi32, #tpu.memory_space<vmem>> -> memref<128xi32, #tpu.memory_space<vmem>>
    %dma_wait3A_106 = arith.constant 0 : i32
    %dma_wait3A_107 = arith.constant 0 : i32
    %dma_wait3A_108 = tpu.memref_slice %arg2[%dma_wait3A_106, %dma_wait3A_107] : memref<100000x128xf32, #tpu.memory_space<hbm>> -> memref<100000x128xf32, #tpu.memory_space<hbm>>
    tpu.wait_indirect_dma semaphore(%arg8 : memref<!tpu.dma_semaphore, #tpu.memory_space<semaphore_mem>>) src(%dma_wait3A_108 : memref<100000x128xf32, #tpu.memory_space<hbm>>) dst(%dma_wait3A_102 : memref<128x128xf32, #tpu.memory_space<vmem>>)
    %dma_wait3A_109 = arith.constant 0 : i32
    %dma_wait3A_110 = arith.constant 384 : i32
    %dma_wait3A_111 = arith.constant 0 : i32
    %dma_wait3A_112 = tpu.memref_slice %arg6[%dma_wait3A_110, %dma_wait3A_111] : memref<768x128xf32, #tpu.memory_space<vmem>> -> memref<128x128xf32, #tpu.memory_space<vmem>>
    %dma_wait3A_113 = arith.constant 0 : i32
    %dma_wait3A_114 = tpu.memref_slice %arg5[%dma_wait3A_109, %dma_wait3A_113] : memref<200x128xi32, #tpu.memory_space<vmem>> -> memref<1x128xi32, #tpu.memory_space<vmem>>
    %dma_wait3A_115 = tpu.memref_squeeze %dma_wait3A_114 : memref<1x128xi32, #tpu.memory_space<vmem>> -> memref<128xi32, #tpu.memory_space<vmem>>
    %dma_wait3A_116 = arith.constant 0 : i32
    %dma_wait3A_117 = arith.constant 0 : i32
    %dma_wait3A_118 = tpu.memref_slice %arg2[%dma_wait3A_116, %dma_wait3A_117] : memref<100000x128xf32, #tpu.memory_space<hbm>> -> memref<100000x128xf32, #tpu.memory_space<hbm>>
    tpu.wait_indirect_dma semaphore(%arg8 : memref<!tpu.dma_semaphore, #tpu.memory_space<semaphore_mem>>) src(%dma_wait3A_118 : memref<100000x128xf32, #tpu.memory_space<hbm>>) dst(%dma_wait3A_112 : memref<128x128xf32, #tpu.memory_space<vmem>>)
    %add3A_119 = arith.constant 256 : i32
    %add3A_120 = arith.addi %mul3A_4, %add3A_119 : i32
    %dma_start3A_121 = arith.constant 256 : i32
    %dma_start3A_122 = arith.constant 0 : i32
    %dma_start3A_123 = tpu.memref_slice %arg6[%dma_start3A_121, %dma_start3A_122] : memref<768x128xf32, #tpu.memory_space<vmem>> -> memref<256x128xf32, #tpu.memory_space<vmem>>
    %dma_start3A_124 = arith.constant 0 : i32
    %dma_start3A_125 = tpu.memref_slice %arg4[%add3A_120, %dma_start3A_124] : memref<819200x128xf32, #tpu.memory_space<hbm>> -> memref<256x128xf32, #tpu.memory_space<hbm>>
    %dma_start3A_126 = arith.constant 0 : i32
    %dma_start3A_127 = tpu.memref_slice %arg4[%add3A_120, %dma_start3A_126] : memref<819200x128xf32, #tpu.memory_space<hbm>> -> memref<256x128xf32, #tpu.memory_space<hbm>>
    %dma_start3A_128 = arith.constant 256 : i32
    %dma_start3A_129 = arith.constant 0 : i32
    %dma_start3A_130 = tpu.memref_slice %arg6[%dma_start3A_128, %dma_start3A_129] : memref<768x128xf32, #tpu.memory_space<vmem>> -> memref<256x128xf32, #tpu.memory_space<vmem>>
    tpu.enqueue_dma source(%dma_start3A_130 : memref<256x128xf32, #tpu.memory_space<vmem>>) target(%dma_start3A_127 : memref<256x128xf32, #tpu.memory_space<hbm>>) target_semaphore(%arg11 : memref<!tpu.dma_semaphore, #tpu.memory_space<semaphore_mem>>)
    %dma_wait3A_131 = arith.constant 0 : i32
    %dma_wait3A_132 = arith.constant 0 : i32
    %dma_wait3A_133 = tpu.memref_slice %arg6[%dma_wait3A_131, %dma_wait3A_132] : memref<768x128xf32, #tpu.memory_space<vmem>> -> memref<256x128xf32, #tpu.memory_space<vmem>>
    %dma_wait3A_134 = arith.constant 0 : i32
    %dma_wait3A_135 = arith.constant 0 : i32
    %dma_wait3A_136 = tpu.memref_slice %arg4[%dma_wait3A_134, %dma_wait3A_135] : memref<819200x128xf32, #tpu.memory_space<hbm>> -> memref<256x128xf32, #tpu.memory_space<hbm>>
    %dma_wait3A_137 = arith.constant 0 : i32
    %dma_wait3A_138 = arith.constant 0 : i32
    %dma_wait3A_139 = tpu.memref_slice %arg4[%dma_wait3A_137, %dma_wait3A_138] : memref<819200x128xf32, #tpu.memory_space<hbm>> -> memref<256x128xf32, #tpu.memory_space<hbm>>
    %dma_wait3A_140 = arith.constant 0 : i32
    %dma_wait3A_141 = arith.constant 0 : i32
    %dma_wait3A_142 = tpu.memref_slice %arg6[%dma_wait3A_140, %dma_wait3A_141] : memref<768x128xf32, #tpu.memory_space<vmem>> -> memref<256x128xf32, #tpu.memory_space<vmem>>
    tpu.wait_dma2 semaphore(%arg10 : memref<!tpu.dma_semaphore, #tpu.memory_space<semaphore_mem>>) src(%dma_wait3A_142 : memref<256x128xf32, #tpu.memory_space<vmem>>) dst(%dma_wait3A_139 : memref<256x128xf32, #tpu.memory_space<hbm>>)
    %dma_start3A_143 = arith.constant 6 : i32
    %dma_start3A_144 = arith.constant 0 : i32
    %dma_start3A_145 = arith.constant 0 : i32
    %dma_start3A_146 = tpu.memref_slice %arg6[%dma_start3A_144, %dma_start3A_145] : memref<768x128xf32, #tpu.memory_space<vmem>> -> memref<128x128xf32, #tpu.memory_space<vmem>>
    %dma_start3A_147 = arith.constant 0 : i32
    %dma_start3A_148 = tpu.memref_slice %arg5[%dma_start3A_143, %dma_start3A_147] : memref<200x128xi32, #tpu.memory_space<vmem>> -> memref<1x128xi32, #tpu.memory_space<vmem>>
    %dma_start3A_149 = tpu.memref_squeeze %dma_start3A_148 : memref<1x128xi32, #tpu.memory_space<vmem>> -> memref<128xi32, #tpu.memory_space<vmem>>
    %dma_start3A_150 = arith.constant 0 : i32
    %dma_start3A_151 = arith.constant 0 : i32
    %dma_start3A_152 = tpu.memref_slice %arg2[%dma_start3A_150, %dma_start3A_151] : memref<100000x128xf32, #tpu.memory_space<hbm>> -> memref<100000x128xf32, #tpu.memory_space<hbm>>
    tpu.enqueue_indirect_dma source(%dma_start3A_152 : memref<100000x128xf32, #tpu.memory_space<hbm>>) target(%dma_start3A_146 : memref<128x128xf32, #tpu.memory_space<vmem>>) offsets(%dma_start3A_149 : memref<128xi32, #tpu.memory_space<vmem>>) semaphore(%arg7 : memref<!tpu.dma_semaphore, #tpu.memory_space<semaphore_mem>>)
    %dma_start3A_153 = arith.constant 7 : i32
    %dma_start3A_154 = arith.constant 128 : i32
    %dma_start3A_155 = arith.constant 0 : i32
    %dma_start3A_156 = tpu.memref_slice %arg6[%dma_start3A_154, %dma_start3A_155] : memref<768x128xf32, #tpu.memory_space<vmem>> -> memref<128x128xf32, #tpu.memory_space<vmem>>
    %dma_start3A_157 = arith.constant 0 : i32
    %dma_start3A_158 = tpu.memref_slice %arg5[%dma_start3A_153, %dma_start3A_157] : memref<200x128xi32, #tpu.memory_space<vmem>> -> memref<1x128xi32, #tpu.memory_space<vmem>>
    %dma_start3A_159 = tpu.memref_squeeze %dma_start3A_158 : memref<1x128xi32, #tpu.memory_space<vmem>> -> memref<128xi32, #tpu.memory_space<vmem>>
    %dma_start3A_160 = arith.constant 0 : i32
    %dma_start3A_161 = arith.constant 0 : i32
    %dma_start3A_162 = tpu.memref_slice %arg2[%dma_start3A_160, %dma_start3A_161] : memref<100000x128xf32, #tpu.memory_space<hbm>> -> memref<100000x128xf32, #tpu.memory_space<hbm>>
    tpu.enqueue_indirect_dma source(%dma_start3A_162 : memref<100000x128xf32, #tpu.memory_space<hbm>>) target(%dma_start3A_156 : memref<128x128xf32, #tpu.memory_space<vmem>>) offsets(%dma_start3A_159 : memref<128xi32, #tpu.memory_space<vmem>>) semaphore(%arg7 : memref<!tpu.dma_semaphore, #tpu.memory_space<semaphore_mem>>)
    %dma_wait3A_163 = arith.constant 0 : i32
    %dma_wait3A_164 = arith.constant 512 : i32
    %dma_wait3A_165 = arith.constant 0 : i32
    %dma_wait3A_166 = tpu.memref_slice %arg6[%dma_wait3A_164, %dma_wait3A_165] : memref<768x128xf32, #tpu.memory_space<vmem>> -> memref<128x128xf32, #tpu.memory_space<vmem>>
    %dma_wait3A_167 = arith.constant 0 : i32
    %dma_wait3A_168 = tpu.memref_slice %arg5[%dma_wait3A_163, %dma_wait3A_167] : memref<200x128xi32, #tpu.memory_space<vmem>> -> memref<1x128xi32, #tpu.memory_space<vmem>>
    %dma_wait3A_169 = tpu.memref_squeeze %dma_wait3A_168 : memref<1x128xi32, #tpu.memory_space<vmem>> -> memref<128xi32, #tpu.memory_space<vmem>>
    %dma_wait3A_170 = arith.constant 0 : i32
    %dma_wait3A_171 = arith.constant 0 : i32
    %dma_wait3A_172 = tpu.memref_slice %arg2[%dma_wait3A_170, %dma_wait3A_171] : memref<100000x128xf32, #tpu.memory_space<hbm>> -> memref<100000x128xf32, #tpu.memory_space<hbm>>
    tpu.wait_indirect_dma semaphore(%arg9 : memref<!tpu.dma_semaphore, #tpu.memory_space<semaphore_mem>>) src(%dma_wait3A_172 : memref<100000x128xf32, #tpu.memory_space<hbm>>) dst(%dma_wait3A_166 : memref<128x128xf32, #tpu.memory_space<vmem>>)
    %dma_wait3A_173 = arith.constant 0 : i32
    %dma_wait3A_174 = arith.constant 640 : i32
    %dma_wait3A_175 = arith.constant 0 : i32
    %dma_wait3A_176 = tpu.memref_slice %arg6[%dma_wait3A_174, %dma_wait3A_175] : memref<768x128xf32, #tpu.memory_space<vmem>> -> memref<128x128xf32, #tpu.memory_space<vmem>>
    %dma_wait3A_177 = arith.constant 0 : i32
    %dma_wait3A_178 = tpu.memref_slice %arg5[%dma_wait3A_173, %dma_wait3A_177] : memref<200x128xi32, #tpu.memory_space<vmem>> -> memref<1x128xi32, #tpu.memory_space<vmem>>
    %dma_wait3A_179 = tpu.memref_squeeze %dma_wait3A_178 : memref<1x128xi32, #tpu.memory_space<vmem>> -> memref<128xi32, #tpu.memory_space<vmem>>
    %dma_wait3A_180 = arith.constant 0 : i32
    %dma_wait3A_181 = arith.constant 0 : i32
    %dma_wait3A_182 = tpu.memref_slice %arg2[%dma_wait3A_180, %dma_wait3A_181] : memref<100000x128xf32, #tpu.memory_space<hbm>> -> memref<100000x128xf32, #tpu.memory_space<hbm>>
    tpu.wait_indirect_dma semaphore(%arg9 : memref<!tpu.dma_semaphore, #tpu.memory_space<semaphore_mem>>) src(%dma_wait3A_182 : memref<100000x128xf32, #tpu.memory_space<hbm>>) dst(%dma_wait3A_176 : memref<128x128xf32, #tpu.memory_space<vmem>>)
    %add3A_183 = arith.constant 512 : i32
    %add3A_184 = arith.addi %mul3A_4, %add3A_183 : i32
    %dma_start3A_185 = arith.constant 512 : i32
    %dma_start3A_186 = arith.constant 0 : i32
    %dma_start3A_187 = tpu.memref_slice %arg6[%dma_start3A_185, %dma_start3A_186] : memref<768x128xf32, #tpu.memory_space<vmem>> -> memref<256x128xf32, #tpu.memory_space<vmem>>
    %dma_start3A_188 = arith.constant 0 : i32
    %dma_start3A_189 = tpu.memref_slice %arg4[%add3A_184, %dma_start3A_188] : memref<819200x128xf32, #tpu.memory_space<hbm>> -> memref<256x128xf32, #tpu.memory_space<hbm>>
    %dma_start3A_190 = arith.constant 0 : i32
    %dma_start3A_191 = tpu.memref_slice %arg4[%add3A_184, %dma_start3A_190] : memref<819200x128xf32, #tpu.memory_space<hbm>> -> memref<256x128xf32, #tpu.memory_space<hbm>>
    %dma_start3A_192 = arith.constant 512 : i32
    %dma_start3A_193 = arith.constant 0 : i32
    %dma_start3A_194 = tpu.memref_slice %arg6[%dma_start3A_192, %dma_start3A_193] : memref<768x128xf32, #tpu.memory_space<vmem>> -> memref<256x128xf32, #tpu.memory_space<vmem>>
    tpu.enqueue_dma source(%dma_start3A_194 : memref<256x128xf32, #tpu.memory_space<vmem>>) target(%dma_start3A_191 : memref<256x128xf32, #tpu.memory_space<hbm>>) target_semaphore(%arg12 : memref<!tpu.dma_semaphore, #tpu.memory_space<semaphore_mem>>)
    %dma_wait3A_195 = arith.constant 256 : i32
    %dma_wait3A_196 = arith.constant 0 : i32
    %dma_wait3A_197 = tpu.memref_slice %arg6[%dma_wait3A_195, %dma_wait3A_196] : memref<768x128xf32, #tpu.memory_space<vmem>> -> memref<256x128xf32, #tpu.memory_space<vmem>>
    %dma_wait3A_198 = arith.constant 0 : i32
    %dma_wait3A_199 = arith.constant 0 : i32
    %dma_wait3A_200 = tpu.memref_slice %arg4[%dma_wait3A_198, %dma_wait3A_199] : memref<819200x128xf32, #tpu.memory_space<hbm>> -> memref<256x128xf32, #tpu.memory_space<hbm>>
    %dma_wait3A_201 = arith.constant 0 : i32
    %dma_wait3A_202 = arith.constant 0 : i32
    %dma_wait3A_203 = tpu.memref_slice %arg4[%dma_wait3A_201, %dma_wait3A_202] : memref<819200x128xf32, #tpu.memory_space<hbm>> -> memref<256x128xf32, #tpu.memory_space<hbm>>
    %dma_wait3A_204 = arith.constant 256 : i32
    %dma_wait3A_205 = arith.constant 0 : i32
    %dma_wait3A_206 = tpu.memref_slice %arg6[%dma_wait3A_204, %dma_wait3A_205] : memref<768x128xf32, #tpu.memory_space<vmem>> -> memref<256x128xf32, #tpu.memory_space<vmem>>
    tpu.wait_dma2 semaphore(%arg11 : memref<!tpu.dma_semaphore, #tpu.memory_space<semaphore_mem>>) src(%dma_wait3A_206 : memref<256x128xf32, #tpu.memory_space<vmem>>) dst(%dma_wait3A_203 : memref<256x128xf32, #tpu.memory_space<hbm>>)
    %dma_start3A_207 = arith.constant 8 : i32
    %dma_start3A_208 = arith.constant 256 : i32
    %dma_start3A_209 = arith.constant 0 : i32
    %dma_start3A_210 = tpu.memref_slice %arg6[%dma_start3A_208, %dma_start3A_209] : memref<768x128xf32, #tpu.memory_space<vmem>> -> memref<128x128xf32, #tpu.memory_space<vmem>>
    %dma_start3A_211 = arith.constant 0 : i32
    %dma_start3A_212 = tpu.memref_slice %arg5[%dma_start3A_207, %dma_start3A_211] : memref<200x128xi32, #tpu.memory_space<vmem>> -> memref<1x128xi32, #tpu.memory_space<vmem>>
    %dma_start3A_213 = tpu.memref_squeeze %dma_start3A_212 : memref<1x128xi32, #tpu.memory_space<vmem>> -> memref<128xi32, #tpu.memory_space<vmem>>
    %dma_start3A_214 = arith.constant 0 : i32
    %dma_start3A_215 = arith.constant 0 : i32
    %dma_start3A_216 = tpu.memref_slice %arg2[%dma_start3A_214, %dma_start3A_215] : memref<100000x128xf32, #tpu.memory_space<hbm>> -> memref<100000x128xf32, #tpu.memory_space<hbm>>
    tpu.enqueue_indirect_dma source(%dma_start3A_216 : memref<100000x128xf32, #tpu.memory_space<hbm>>) target(%dma_start3A_210 : memref<128x128xf32, #tpu.memory_space<vmem>>) offsets(%dma_start3A_213 : memref<128xi32, #tpu.memory_space<vmem>>) semaphore(%arg8 : memref<!tpu.dma_semaphore, #tpu.memory_space<semaphore_mem>>)
    %dma_start3A_217 = arith.constant 9 : i32
    %dma_start3A_218 = arith.constant 384 : i32
    %dma_start3A_219 = arith.constant 0 : i32
    %dma_start3A_220 = tpu.memref_slice %arg6[%dma_start3A_218, %dma_start3A_219] : memref<768x128xf32, #tpu.memory_space<vmem>> -> memref<128x128xf32, #tpu.memory_space<vmem>>
    %dma_start3A_221 = arith.constant 0 : i32
    %dma_start3A_222 = tpu.memref_slice %arg5[%dma_start3A_217, %dma_start3A_221] : memref<200x128xi32, #tpu.memory_space<vmem>> -> memref<1x128xi32, #tpu.memory_space<vmem>>
    %dma_start3A_223 = tpu.memref_squeeze %dma_start3A_222 : memref<1x128xi32, #tpu.memory_space<vmem>> -> memref<128xi32, #tpu.memory_space<vmem>>
    %dma_start3A_224 = arith.constant 0 : i32
    %dma_start3A_225 = arith.constant 0 : i32
    %dma_start3A_226 = tpu.memref_slice %arg2[%dma_start3A_224, %dma_start3A_225] : memref<100000x128xf32, #tpu.memory_space<hbm>> -> memref<100000x128xf32, #tpu.memory_space<hbm>>
    tpu.enqueue_indirect_dma source(%dma_start3A_226 : memref<100000x128xf32, #tpu.memory_space<hbm>>) target(%dma_start3A_220 : memref<128x128xf32, #tpu.memory_space<vmem>>) offsets(%dma_start3A_223 : memref<128xi32, #tpu.memory_space<vmem>>) semaphore(%arg8 : memref<!tpu.dma_semaphore, #tpu.memory_space<semaphore_mem>>)
    %scan3A = arith.constant 0 : i32
    %scan3A_227 = arith.constant 31 : i32
    %scan3A_228 = arith.addi %scan3A, %scan3A_227 : i32
    %scan3A_229 = arith.constant 1 : i32
    scf.for %scan3A_459 = %scan3A to %scan3A_228 step %scan3A_229  : i32 {
      %mul3A_460 = arith.constant 3 : i32
      %mul3A_461 = arith.muli %scan3A_459, %mul3A_460 : i32
      %add3A_462 = arith.constant 0 : i32
      %add3A_463 = arith.addi %add3A_462, %mul3A_461 : i32
      %add3A_464 = arith.constant 3 : i32
      %add3A_465 = arith.addi %add3A_464, %add3A_463 : i32
      %add3A_466 = arith.constant 0 : i32
      %add3A_467 = arith.addi %add3A_465, %add3A_466 : i32
      %dma_wait3A_468 = arith.constant 0 : i32
      %dma_wait3A_469 = arith.constant 0 : i32
      %dma_wait3A_470 = arith.constant 0 : i32
      %dma_wait3A_471 = tpu.memref_slice %arg6[%dma_wait3A_469, %dma_wait3A_470] : memref<768x128xf32, #tpu.memory_space<vmem>> -> memref<128x128xf32, #tpu.memory_space<vmem>>
      %dma_wait3A_472 = arith.constant 0 : i32
      %dma_wait3A_473 = tpu.memref_slice %arg5[%dma_wait3A_468, %dma_wait3A_472] : memref<200x128xi32, #tpu.memory_space<vmem>> -> memref<1x128xi32, #tpu.memory_space<vmem>>
      %dma_wait3A_474 = tpu.memref_squeeze %dma_wait3A_473 : memref<1x128xi32, #tpu.memory_space<vmem>> -> memref<128xi32, #tpu.memory_space<vmem>>
      %dma_wait3A_475 = arith.constant 0 : i32
      %dma_wait3A_476 = arith.constant 0 : i32
      %dma_wait3A_477 = tpu.memref_slice %arg2[%dma_wait3A_475, %dma_wait3A_476] : memref<100000x128xf32, #tpu.memory_space<hbm>> -> memref<100000x128xf32, #tpu.memory_space<hbm>>
      tpu.wait_indirect_dma semaphore(%arg7 : memref<!tpu.dma_semaphore, #tpu.memory_space<semaphore_mem>>) src(%dma_wait3A_477 : memref<100000x128xf32, #tpu.memory_space<hbm>>) dst(%dma_wait3A_471 : memref<128x128xf32, #tpu.memory_space<vmem>>)
      %dma_wait3A_478 = arith.constant 0 : i32
      %dma_wait3A_479 = arith.constant 128 : i32
      %dma_wait3A_480 = arith.constant 0 : i32
      %dma_wait3A_481 = tpu.memref_slice %arg6[%dma_wait3A_479, %dma_wait3A_480] : memref<768x128xf32, #tpu.memory_space<vmem>> -> memref<128x128xf32, #tpu.memory_space<vmem>>
      %dma_wait3A_482 = arith.constant 0 : i32
      %dma_wait3A_483 = tpu.memref_slice %arg5[%dma_wait3A_478, %dma_wait3A_482] : memref<200x128xi32, #tpu.memory_space<vmem>> -> memref<1x128xi32, #tpu.memory_space<vmem>>
      %dma_wait3A_484 = tpu.memref_squeeze %dma_wait3A_483 : memref<1x128xi32, #tpu.memory_space<vmem>> -> memref<128xi32, #tpu.memory_space<vmem>>
      %dma_wait3A_485 = arith.constant 0 : i32
      %dma_wait3A_486 = arith.constant 0 : i32
      %dma_wait3A_487 = tpu.memref_slice %arg2[%dma_wait3A_485, %dma_wait3A_486] : memref<100000x128xf32, #tpu.memory_space<hbm>> -> memref<100000x128xf32, #tpu.memory_space<hbm>>
      tpu.wait_indirect_dma semaphore(%arg7 : memref<!tpu.dma_semaphore, #tpu.memory_space<semaphore_mem>>) src(%dma_wait3A_487 : memref<100000x128xf32, #tpu.memory_space<hbm>>) dst(%dma_wait3A_481 : memref<128x128xf32, #tpu.memory_space<vmem>>)
      %mul3A_488 = arith.constant 256 : i32
      %mul3A_489 = arith.muli %add3A_467, %mul3A_488 : i32
      %add3A_490 = arith.addi %mul3A_4, %mul3A_489 : i32
      %dma_start3A_491 = arith.constant 0 : i32
      %dma_start3A_492 = arith.constant 0 : i32
      %dma_start3A_493 = tpu.memref_slice %arg6[%dma_start3A_491, %dma_start3A_492] : memref<768x128xf32, #tpu.memory_space<vmem>> -> memref<256x128xf32, #tpu.memory_space<vmem>>
      %dma_start3A_494 = arith.constant 0 : i32
      %dma_start3A_495 = tpu.memref_slice %arg4[%add3A_490, %dma_start3A_494] : memref<819200x128xf32, #tpu.memory_space<hbm>> -> memref<256x128xf32, #tpu.memory_space<hbm>>
      %dma_start3A_496 = arith.constant 0 : i32
      %dma_start3A_497 = tpu.memref_slice %arg4[%add3A_490, %dma_start3A_496] : memref<819200x128xf32, #tpu.memory_space<hbm>> -> memref<256x128xf32, #tpu.memory_space<hbm>>
      %dma_start3A_498 = arith.constant 0 : i32
      %dma_start3A_499 = arith.constant 0 : i32
      %dma_start3A_500 = tpu.memref_slice %arg6[%dma_start3A_498, %dma_start3A_499] : memref<768x128xf32, #tpu.memory_space<vmem>> -> memref<256x128xf32, #tpu.memory_space<vmem>>
      tpu.enqueue_dma source(%dma_start3A_500 : memref<256x128xf32, #tpu.memory_space<vmem>>) target(%dma_start3A_497 : memref<256x128xf32, #tpu.memory_space<hbm>>) target_semaphore(%arg10 : memref<!tpu.dma_semaphore, #tpu.memory_space<semaphore_mem>>)
      %dma_wait3A_501 = arith.constant 512 : i32
      %dma_wait3A_502 = arith.constant 0 : i32
      %dma_wait3A_503 = tpu.memref_slice %arg6[%dma_wait3A_501, %dma_wait3A_502] : memref<768x128xf32, #tpu.memory_space<vmem>> -> memref<256x128xf32, #tpu.memory_space<vmem>>
      %dma_wait3A_504 = arith.constant 0 : i32
      %dma_wait3A_505 = arith.constant 0 : i32
      %dma_wait3A_506 = tpu.memref_slice %arg4[%dma_wait3A_504, %dma_wait3A_505] : memref<819200x128xf32, #tpu.memory_space<hbm>> -> memref<256x128xf32, #tpu.memory_space<hbm>>
      %dma_wait3A_507 = arith.constant 0 : i32
      %dma_wait3A_508 = arith.constant 0 : i32
      %dma_wait3A_509 = tpu.memref_slice %arg4[%dma_wait3A_507, %dma_wait3A_508] : memref<819200x128xf32, #tpu.memory_space<hbm>> -> memref<256x128xf32, #tpu.memory_space<hbm>>
      %dma_wait3A_510 = arith.constant 512 : i32
      %dma_wait3A_511 = arith.constant 0 : i32
      %dma_wait3A_512 = tpu.memref_slice %arg6[%dma_wait3A_510, %dma_wait3A_511] : memref<768x128xf32, #tpu.memory_space<vmem>> -> memref<256x128xf32, #tpu.memory_space<vmem>>
      tpu.wait_dma2 semaphore(%arg12 : memref<!tpu.dma_semaphore, #tpu.memory_space<semaphore_mem>>) src(%dma_wait3A_512 : memref<256x128xf32, #tpu.memory_space<vmem>>) dst(%dma_wait3A_509 : memref<256x128xf32, #tpu.memory_space<hbm>>)
      %add3A_513 = arith.constant 3 : i32
      %add3A_514 = arith.addi %add3A_467, %add3A_513 : i32
      %sub3A = arith.constant 1 : i32
      %sub3A_515 = arith.subi %add3A_514, %sub3A : i32
      %mul3A_516 = arith.constant 2 : i32
      %mul3A_517 = arith.muli %sub3A_515, %mul3A_516 : i32
      %add3A_518 = arith.constant 0 : i32
      %add3A_519 = arith.addi %mul3A_517, %add3A_518 : i32
      %dma_start3A_520 = arith.constant 512 : i32
      %dma_start3A_521 = arith.constant 0 : i32
      %dma_start3A_522 = tpu.memref_slice %arg6[%dma_start3A_520, %dma_start3A_521] : memref<768x128xf32, #tpu.memory_space<vmem>> -> memref<128x128xf32, #tpu.memory_space<vmem>>
      %dma_start3A_523 = arith.constant 0 : i32
      %dma_start3A_524 = tpu.memref_slice %arg5[%add3A_519, %dma_start3A_523] : memref<200x128xi32, #tpu.memory_space<vmem>> -> memref<1x128xi32, #tpu.memory_space<vmem>>
      %dma_start3A_525 = tpu.memref_squeeze %dma_start3A_524 : memref<1x128xi32, #tpu.memory_space<vmem>> -> memref<128xi32, #tpu.memory_space<vmem>>
      %dma_start3A_526 = arith.constant 0 : i32
      %dma_start3A_527 = arith.constant 0 : i32
      %dma_start3A_528 = tpu.memref_slice %arg2[%dma_start3A_526, %dma_start3A_527] : memref<100000x128xf32, #tpu.memory_space<hbm>> -> memref<100000x128xf32, #tpu.memory_space<hbm>>
      tpu.enqueue_indirect_dma source(%dma_start3A_528 : memref<100000x128xf32, #tpu.memory_space<hbm>>) target(%dma_start3A_522 : memref<128x128xf32, #tpu.memory_space<vmem>>) offsets(%dma_start3A_525 : memref<128xi32, #tpu.memory_space<vmem>>) semaphore(%arg9 : memref<!tpu.dma_semaphore, #tpu.memory_space<semaphore_mem>>)
      %mul3A_529 = arith.constant 2 : i32
      %mul3A_530 = arith.muli %sub3A_515, %mul3A_529 : i32
      %add3A_531 = arith.constant 1 : i32
      %add3A_532 = arith.addi %mul3A_530, %add3A_531 : i32
      %dma_start3A_533 = arith.constant 640 : i32
      %dma_start3A_534 = arith.constant 0 : i32
      %dma_start3A_535 = tpu.memref_slice %arg6[%dma_start3A_533, %dma_start3A_534] : memref<768x128xf32, #tpu.memory_space<vmem>> -> memref<128x128xf32, #tpu.memory_space<vmem>>
      %dma_start3A_536 = arith.constant 0 : i32
      %dma_start3A_537 = tpu.memref_slice %arg5[%add3A_532, %dma_start3A_536] : memref<200x128xi32, #tpu.memory_space<vmem>> -> memref<1x128xi32, #tpu.memory_space<vmem>>
      %dma_start3A_538 = tpu.memref_squeeze %dma_start3A_537 : memref<1x128xi32, #tpu.memory_space<vmem>> -> memref<128xi32, #tpu.memory_space<vmem>>
      %dma_start3A_539 = arith.constant 0 : i32
      %dma_start3A_540 = arith.constant 0 : i32
      %dma_start3A_541 = tpu.memref_slice %arg2[%dma_start3A_539, %dma_start3A_540] : memref<100000x128xf32, #tpu.memory_space<hbm>> -> memref<100000x128xf32, #tpu.memory_space<hbm>>
      tpu.enqueue_indirect_dma source(%dma_start3A_541 : memref<100000x128xf32, #tpu.memory_space<hbm>>) target(%dma_start3A_535 : memref<128x128xf32, #tpu.memory_space<vmem>>) offsets(%dma_start3A_538 : memref<128xi32, #tpu.memory_space<vmem>>) semaphore(%arg9 : memref<!tpu.dma_semaphore, #tpu.memory_space<semaphore_mem>>)
      %add3A_542 = arith.constant 3 : i32
      %add3A_543 = arith.addi %add3A_542, %add3A_463 : i32
      %add3A_544 = arith.constant 1 : i32
      %add3A_545 = arith.addi %add3A_543, %add3A_544 : i32
      %dma_wait3A_546 = arith.constant 0 : i32
      %dma_wait3A_547 = arith.constant 256 : i32
      %dma_wait3A_548 = arith.constant 0 : i32
      %dma_wait3A_549 = tpu.memref_slice %arg6[%dma_wait3A_547, %dma_wait3A_548] : memref<768x128xf32, #tpu.memory_space<vmem>> -> memref<128x128xf32, #tpu.memory_space<vmem>>
      %dma_wait3A_550 = arith.constant 0 : i32
      %dma_wait3A_551 = tpu.memref_slice %arg5[%dma_wait3A_546, %dma_wait3A_550] : memref<200x128xi32, #tpu.memory_space<vmem>> -> memref<1x128xi32, #tpu.memory_space<vmem>>
      %dma_wait3A_552 = tpu.memref_squeeze %dma_wait3A_551 : memref<1x128xi32, #tpu.memory_space<vmem>> -> memref<128xi32, #tpu.memory_space<vmem>>
      %dma_wait3A_553 = arith.constant 0 : i32
      %dma_wait3A_554 = arith.constant 0 : i32
      %dma_wait3A_555 = tpu.memref_slice %arg2[%dma_wait3A_553, %dma_wait3A_554] : memref<100000x128xf32, #tpu.memory_space<hbm>> -> memref<100000x128xf32, #tpu.memory_space<hbm>>
      tpu.wait_indirect_dma semaphore(%arg8 : memref<!tpu.dma_semaphore, #tpu.memory_space<semaphore_mem>>) src(%dma_wait3A_555 : memref<100000x128xf32, #tpu.memory_space<hbm>>) dst(%dma_wait3A_549 : memref<128x128xf32, #tpu.memory_space<vmem>>)
      %dma_wait3A_556 = arith.constant 0 : i32
      %dma_wait3A_557 = arith.constant 384 : i32
      %dma_wait3A_558 = arith.constant 0 : i32
      %dma_wait3A_559 = tpu.memref_slice %arg6[%dma_wait3A_557, %dma_wait3A_558] : memref<768x128xf32, #tpu.memory_space<vmem>> -> memref<128x128xf32, #tpu.memory_space<vmem>>
      %dma_wait3A_560 = arith.constant 0 : i32
      %dma_wait3A_561 = tpu.memref_slice %arg5[%dma_wait3A_556, %dma_wait3A_560] : memref<200x128xi32, #tpu.memory_space<vmem>> -> memref<1x128xi32, #tpu.memory_space<vmem>>
      %dma_wait3A_562 = tpu.memref_squeeze %dma_wait3A_561 : memref<1x128xi32, #tpu.memory_space<vmem>> -> memref<128xi32, #tpu.memory_space<vmem>>
      %dma_wait3A_563 = arith.constant 0 : i32
      %dma_wait3A_564 = arith.constant 0 : i32
      %dma_wait3A_565 = tpu.memref_slice %arg2[%dma_wait3A_563, %dma_wait3A_564] : memref<100000x128xf32, #tpu.memory_space<hbm>> -> memref<100000x128xf32, #tpu.memory_space<hbm>>
      tpu.wait_indirect_dma semaphore(%arg8 : memref<!tpu.dma_semaphore, #tpu.memory_space<semaphore_mem>>) src(%dma_wait3A_565 : memref<100000x128xf32, #tpu.memory_space<hbm>>) dst(%dma_wait3A_559 : memref<128x128xf32, #tpu.memory_space<vmem>>)
      %mul3A_566 = arith.constant 256 : i32
      %mul3A_567 = arith.muli %add3A_545, %mul3A_566 : i32
      %add3A_568 = arith.addi %mul3A_4, %mul3A_567 : i32
      %dma_start3A_569 = arith.constant 256 : i32
      %dma_start3A_570 = arith.constant 0 : i32
      %dma_start3A_571 = tpu.memref_slice %arg6[%dma_start3A_569, %dma_start3A_570] : memref<768x128xf32, #tpu.memory_space<vmem>> -> memref<256x128xf32, #tpu.memory_space<vmem>>
      %dma_start3A_572 = arith.constant 0 : i32
      %dma_start3A_573 = tpu.memref_slice %arg4[%add3A_568, %dma_start3A_572] : memref<819200x128xf32, #tpu.memory_space<hbm>> -> memref<256x128xf32, #tpu.memory_space<hbm>>
      %dma_start3A_574 = arith.constant 0 : i32
      %dma_start3A_575 = tpu.memref_slice %arg4[%add3A_568, %dma_start3A_574] : memref<819200x128xf32, #tpu.memory_space<hbm>> -> memref<256x128xf32, #tpu.memory_space<hbm>>
      %dma_start3A_576 = arith.constant 256 : i32
      %dma_start3A_577 = arith.constant 0 : i32
      %dma_start3A_578 = tpu.memref_slice %arg6[%dma_start3A_576, %dma_start3A_577] : memref<768x128xf32, #tpu.memory_space<vmem>> -> memref<256x128xf32, #tpu.memory_space<vmem>>
      tpu.enqueue_dma source(%dma_start3A_578 : memref<256x128xf32, #tpu.memory_space<vmem>>) target(%dma_start3A_575 : memref<256x128xf32, #tpu.memory_space<hbm>>) target_semaphore(%arg11 : memref<!tpu.dma_semaphore, #tpu.memory_space<semaphore_mem>>)
      %dma_wait3A_579 = arith.constant 0 : i32
      %dma_wait3A_580 = arith.constant 0 : i32
      %dma_wait3A_581 = tpu.memref_slice %arg6[%dma_wait3A_579, %dma_wait3A_580] : memref<768x128xf32, #tpu.memory_space<vmem>> -> memref<256x128xf32, #tpu.memory_space<vmem>>
      %dma_wait3A_582 = arith.constant 0 : i32
      %dma_wait3A_583 = arith.constant 0 : i32
      %dma_wait3A_584 = tpu.memref_slice %arg4[%dma_wait3A_582, %dma_wait3A_583] : memref<819200x128xf32, #tpu.memory_space<hbm>> -> memref<256x128xf32, #tpu.memory_space<hbm>>
      %dma_wait3A_585 = arith.constant 0 : i32
      %dma_wait3A_586 = arith.constant 0 : i32
      %dma_wait3A_587 = tpu.memref_slice %arg4[%dma_wait3A_585, %dma_wait3A_586] : memref<819200x128xf32, #tpu.memory_space<hbm>> -> memref<256x128xf32, #tpu.memory_space<hbm>>
      %dma_wait3A_588 = arith.constant 0 : i32
      %dma_wait3A_589 = arith.constant 0 : i32
      %dma_wait3A_590 = tpu.memref_slice %arg6[%dma_wait3A_588, %dma_wait3A_589] : memref<768x128xf32, #tpu.memory_space<vmem>> -> memref<256x128xf32, #tpu.memory_space<vmem>>
      tpu.wait_dma2 semaphore(%arg10 : memref<!tpu.dma_semaphore, #tpu.memory_space<semaphore_mem>>) src(%dma_wait3A_590 : memref<256x128xf32, #tpu.memory_space<vmem>>) dst(%dma_wait3A_587 : memref<256x128xf32, #tpu.memory_space<hbm>>)
      %add3A_591 = arith.constant 3 : i32
      %add3A_592 = arith.addi %add3A_545, %add3A_591 : i32
      %sub3A_593 = arith.constant 1 : i32
      %sub3A_594 = arith.subi %add3A_592, %sub3A_593 : i32
      %mul3A_595 = arith.constant 2 : i32
      %mul3A_596 = arith.muli %sub3A_594, %mul3A_595 : i32
      %add3A_597 = arith.constant 0 : i32
      %add3A_598 = arith.addi %mul3A_596, %add3A_597 : i32
      %dma_start3A_599 = arith.constant 0 : i32
      %dma_start3A_600 = arith.constant 0 : i32
      %dma_start3A_601 = tpu.memref_slice %arg6[%dma_start3A_599, %dma_start3A_600] : memref<768x128xf32, #tpu.memory_space<vmem>> -> memref<128x128xf32, #tpu.memory_space<vmem>>
      %dma_start3A_602 = arith.constant 0 : i32
      %dma_start3A_603 = tpu.memref_slice %arg5[%add3A_598, %dma_start3A_602] : memref<200x128xi32, #tpu.memory_space<vmem>> -> memref<1x128xi32, #tpu.memory_space<vmem>>
      %dma_start3A_604 = tpu.memref_squeeze %dma_start3A_603 : memref<1x128xi32, #tpu.memory_space<vmem>> -> memref<128xi32, #tpu.memory_space<vmem>>
      %dma_start3A_605 = arith.constant 0 : i32
      %dma_start3A_606 = arith.constant 0 : i32
      %dma_start3A_607 = tpu.memref_slice %arg2[%dma_start3A_605, %dma_start3A_606] : memref<100000x128xf32, #tpu.memory_space<hbm>> -> memref<100000x128xf32, #tpu.memory_space<hbm>>
      tpu.enqueue_indirect_dma source(%dma_start3A_607 : memref<100000x128xf32, #tpu.memory_space<hbm>>) target(%dma_start3A_601 : memref<128x128xf32, #tpu.memory_space<vmem>>) offsets(%dma_start3A_604 : memref<128xi32, #tpu.memory_space<vmem>>) semaphore(%arg7 : memref<!tpu.dma_semaphore, #tpu.memory_space<semaphore_mem>>)
      %mul3A_608 = arith.constant 2 : i32
      %mul3A_609 = arith.muli %sub3A_594, %mul3A_608 : i32
      %add3A_610 = arith.constant 1 : i32
      %add3A_611 = arith.addi %mul3A_609, %add3A_610 : i32
      %dma_start3A_612 = arith.constant 128 : i32
      %dma_start3A_613 = arith.constant 0 : i32
      %dma_start3A_614 = tpu.memref_slice %arg6[%dma_start3A_612, %dma_start3A_613] : memref<768x128xf32, #tpu.memory_space<vmem>> -> memref<128x128xf32, #tpu.memory_space<vmem>>
      %dma_start3A_615 = arith.constant 0 : i32
      %dma_start3A_616 = tpu.memref_slice %arg5[%add3A_611, %dma_start3A_615] : memref<200x128xi32, #tpu.memory_space<vmem>> -> memref<1x128xi32, #tpu.memory_space<vmem>>
      %dma_start3A_617 = tpu.memref_squeeze %dma_start3A_616 : memref<1x128xi32, #tpu.memory_space<vmem>> -> memref<128xi32, #tpu.memory_space<vmem>>
      %dma_start3A_618 = arith.constant 0 : i32
      %dma_start3A_619 = arith.constant 0 : i32
      %dma_start3A_620 = tpu.memref_slice %arg2[%dma_start3A_618, %dma_start3A_619] : memref<100000x128xf32, #tpu.memory_space<hbm>> -> memref<100000x128xf32, #tpu.memory_space<hbm>>
      tpu.enqueue_indirect_dma source(%dma_start3A_620 : memref<100000x128xf32, #tpu.memory_space<hbm>>) target(%dma_start3A_614 : memref<128x128xf32, #tpu.memory_space<vmem>>) offsets(%dma_start3A_617 : memref<128xi32, #tpu.memory_space<vmem>>) semaphore(%arg7 : memref<!tpu.dma_semaphore, #tpu.memory_space<semaphore_mem>>)
      %add3A_621 = arith.constant 3 : i32
      %add3A_622 = arith.addi %add3A_621, %add3A_463 : i32
      %add3A_623 = arith.constant 2 : i32
      %add3A_624 = arith.addi %add3A_622, %add3A_623 : i32
      %dma_wait3A_625 = arith.constant 0 : i32
      %dma_wait3A_626 = arith.constant 512 : i32
      %dma_wait3A_627 = arith.constant 0 : i32
      %dma_wait3A_628 = tpu.memref_slice %arg6[%dma_wait3A_626, %dma_wait3A_627] : memref<768x128xf32, #tpu.memory_space<vmem>> -> memref<128x128xf32, #tpu.memory_space<vmem>>
      %dma_wait3A_629 = arith.constant 0 : i32
      %dma_wait3A_630 = tpu.memref_slice %arg5[%dma_wait3A_625, %dma_wait3A_629] : memref<200x128xi32, #tpu.memory_space<vmem>> -> memref<1x128xi32, #tpu.memory_space<vmem>>
      %dma_wait3A_631 = tpu.memref_squeeze %dma_wait3A_630 : memref<1x128xi32, #tpu.memory_space<vmem>> -> memref<128xi32, #tpu.memory_space<vmem>>
      %dma_wait3A_632 = arith.constant 0 : i32
      %dma_wait3A_633 = arith.constant 0 : i32
      %dma_wait3A_634 = tpu.memref_slice %arg2[%dma_wait3A_632, %dma_wait3A_633] : memref<100000x128xf32, #tpu.memory_space<hbm>> -> memref<100000x128xf32, #tpu.memory_space<hbm>>
      tpu.wait_indirect_dma semaphore(%arg9 : memref<!tpu.dma_semaphore, #tpu.memory_space<semaphore_mem>>) src(%dma_wait3A_634 : memref<100000x128xf32, #tpu.memory_space<hbm>>) dst(%dma_wait3A_628 : memref<128x128xf32, #tpu.memory_space<vmem>>)
      %dma_wait3A_635 = arith.constant 0 : i32
      %dma_wait3A_636 = arith.constant 640 : i32
      %dma_wait3A_637 = arith.constant 0 : i32
      %dma_wait3A_638 = tpu.memref_slice %arg6[%dma_wait3A_636, %dma_wait3A_637] : memref<768x128xf32, #tpu.memory_space<vmem>> -> memref<128x128xf32, #tpu.memory_space<vmem>>
      %dma_wait3A_639 = arith.constant 0 : i32
      %dma_wait3A_640 = tpu.memref_slice %arg5[%dma_wait3A_635, %dma_wait3A_639] : memref<200x128xi32, #tpu.memory_space<vmem>> -> memref<1x128xi32, #tpu.memory_space<vmem>>
      %dma_wait3A_641 = tpu.memref_squeeze %dma_wait3A_640 : memref<1x128xi32, #tpu.memory_space<vmem>> -> memref<128xi32, #tpu.memory_space<vmem>>
      %dma_wait3A_642 = arith.constant 0 : i32
      %dma_wait3A_643 = arith.constant 0 : i32
      %dma_wait3A_644 = tpu.memref_slice %arg2[%dma_wait3A_642, %dma_wait3A_643] : memref<100000x128xf32, #tpu.memory_space<hbm>> -> memref<100000x128xf32, #tpu.memory_space<hbm>>
      tpu.wait_indirect_dma semaphore(%arg9 : memref<!tpu.dma_semaphore, #tpu.memory_space<semaphore_mem>>) src(%dma_wait3A_644 : memref<100000x128xf32, #tpu.memory_space<hbm>>) dst(%dma_wait3A_638 : memref<128x128xf32, #tpu.memory_space<vmem>>)
      %mul3A_645 = arith.constant 256 : i32
      %mul3A_646 = arith.muli %add3A_624, %mul3A_645 : i32
      %add3A_647 = arith.addi %mul3A_4, %mul3A_646 : i32
      %dma_start3A_648 = arith.constant 512 : i32
      %dma_start3A_649 = arith.constant 0 : i32
      %dma_start3A_650 = tpu.memref_slice %arg6[%dma_start3A_648, %dma_start3A_649] : memref<768x128xf32, #tpu.memory_space<vmem>> -> memref<256x128xf32, #tpu.memory_space<vmem>>
      %dma_start3A_651 = arith.constant 0 : i32
      %dma_start3A_652 = tpu.memref_slice %arg4[%add3A_647, %dma_start3A_651] : memref<819200x128xf32, #tpu.memory_space<hbm>> -> memref<256x128xf32, #tpu.memory_space<hbm>>
      %dma_start3A_653 = arith.constant 0 : i32
      %dma_start3A_654 = tpu.memref_slice %arg4[%add3A_647, %dma_start3A_653] : memref<819200x128xf32, #tpu.memory_space<hbm>> -> memref<256x128xf32, #tpu.memory_space<hbm>>
      %dma_start3A_655 = arith.constant 512 : i32
      %dma_start3A_656 = arith.constant 0 : i32
      %dma_start3A_657 = tpu.memref_slice %arg6[%dma_start3A_655, %dma_start3A_656] : memref<768x128xf32, #tpu.memory_space<vmem>> -> memref<256x128xf32, #tpu.memory_space<vmem>>
      tpu.enqueue_dma source(%dma_start3A_657 : memref<256x128xf32, #tpu.memory_space<vmem>>) target(%dma_start3A_654 : memref<256x128xf32, #tpu.memory_space<hbm>>) target_semaphore(%arg12 : memref<!tpu.dma_semaphore, #tpu.memory_space<semaphore_mem>>)
      %dma_wait3A_658 = arith.constant 256 : i32
      %dma_wait3A_659 = arith.constant 0 : i32
      %dma_wait3A_660 = tpu.memref_slice %arg6[%dma_wait3A_658, %dma_wait3A_659] : memref<768x128xf32, #tpu.memory_space<vmem>> -> memref<256x128xf32, #tpu.memory_space<vmem>>
      %dma_wait3A_661 = arith.constant 0 : i32
      %dma_wait3A_662 = arith.constant 0 : i32
      %dma_wait3A_663 = tpu.memref_slice %arg4[%dma_wait3A_661, %dma_wait3A_662] : memref<819200x128xf32, #tpu.memory_space<hbm>> -> memref<256x128xf32, #tpu.memory_space<hbm>>
      %dma_wait3A_664 = arith.constant 0 : i32
      %dma_wait3A_665 = arith.constant 0 : i32
      %dma_wait3A_666 = tpu.memref_slice %arg4[%dma_wait3A_664, %dma_wait3A_665] : memref<819200x128xf32, #tpu.memory_space<hbm>> -> memref<256x128xf32, #tpu.memory_space<hbm>>
      %dma_wait3A_667 = arith.constant 256 : i32
      %dma_wait3A_668 = arith.constant 0 : i32
      %dma_wait3A_669 = tpu.memref_slice %arg6[%dma_wait3A_667, %dma_wait3A_668] : memref<768x128xf32, #tpu.memory_space<vmem>> -> memref<256x128xf32, #tpu.memory_space<vmem>>
      tpu.wait_dma2 semaphore(%arg11 : memref<!tpu.dma_semaphore, #tpu.memory_space<semaphore_mem>>) src(%dma_wait3A_669 : memref<256x128xf32, #tpu.memory_space<vmem>>) dst(%dma_wait3A_666 : memref<256x128xf32, #tpu.memory_space<hbm>>)
      %add3A_670 = arith.constant 3 : i32
      %add3A_671 = arith.addi %add3A_624, %add3A_670 : i32
      %sub3A_672 = arith.constant 1 : i32
      %sub3A_673 = arith.subi %add3A_671, %sub3A_672 : i32
      %mul3A_674 = arith.constant 2 : i32
      %mul3A_675 = arith.muli %sub3A_673, %mul3A_674 : i32
      %add3A_676 = arith.constant 0 : i32
      %add3A_677 = arith.addi %mul3A_675, %add3A_676 : i32
      %dma_start3A_678 = arith.constant 256 : i32
      %dma_start3A_679 = arith.constant 0 : i32
      %dma_start3A_680 = tpu.memref_slice %arg6[%dma_start3A_678, %dma_start3A_679] : memref<768x128xf32, #tpu.memory_space<vmem>> -> memref<128x128xf32, #tpu.memory_space<vmem>>
      %dma_start3A_681 = arith.constant 0 : i32
      %dma_start3A_682 = tpu.memref_slice %arg5[%add3A_677, %dma_start3A_681] : memref<200x128xi32, #tpu.memory_space<vmem>> -> memref<1x128xi32, #tpu.memory_space<vmem>>
      %dma_start3A_683 = tpu.memref_squeeze %dma_start3A_682 : memref<1x128xi32, #tpu.memory_space<vmem>> -> memref<128xi32, #tpu.memory_space<vmem>>
      %dma_start3A_684 = arith.constant 0 : i32
      %dma_start3A_685 = arith.constant 0 : i32
      %dma_start3A_686 = tpu.memref_slice %arg2[%dma_start3A_684, %dma_start3A_685] : memref<100000x128xf32, #tpu.memory_space<hbm>> -> memref<100000x128xf32, #tpu.memory_space<hbm>>
      tpu.enqueue_indirect_dma source(%dma_start3A_686 : memref<100000x128xf32, #tpu.memory_space<hbm>>) target(%dma_start3A_680 : memref<128x128xf32, #tpu.memory_space<vmem>>) offsets(%dma_start3A_683 : memref<128xi32, #tpu.memory_space<vmem>>) semaphore(%arg8 : memref<!tpu.dma_semaphore, #tpu.memory_space<semaphore_mem>>)
      %mul3A_687 = arith.constant 2 : i32
      %mul3A_688 = arith.muli %sub3A_673, %mul3A_687 : i32
      %add3A_689 = arith.constant 1 : i32
      %add3A_690 = arith.addi %mul3A_688, %add3A_689 : i32
      %dma_start3A_691 = arith.constant 384 : i32
      %dma_start3A_692 = arith.constant 0 : i32
      %dma_start3A_693 = tpu.memref_slice %arg6[%dma_start3A_691, %dma_start3A_692] : memref<768x128xf32, #tpu.memory_space<vmem>> -> memref<128x128xf32, #tpu.memory_space<vmem>>
      %dma_start3A_694 = arith.constant 0 : i32
      %dma_start3A_695 = tpu.memref_slice %arg5[%add3A_690, %dma_start3A_694] : memref<200x128xi32, #tpu.memory_space<vmem>> -> memref<1x128xi32, #tpu.memory_space<vmem>>
      %dma_start3A_696 = tpu.memref_squeeze %dma_start3A_695 : memref<1x128xi32, #tpu.memory_space<vmem>> -> memref<128xi32, #tpu.memory_space<vmem>>
      %dma_start3A_697 = arith.constant 0 : i32
      %dma_start3A_698 = arith.constant 0 : i32
      %dma_start3A_699 = tpu.memref_slice %arg2[%dma_start3A_697, %dma_start3A_698] : memref<100000x128xf32, #tpu.memory_space<hbm>> -> memref<100000x128xf32, #tpu.memory_space<hbm>>
      tpu.enqueue_indirect_dma source(%dma_start3A_699 : memref<100000x128xf32, #tpu.memory_space<hbm>>) target(%dma_start3A_693 : memref<128x128xf32, #tpu.memory_space<vmem>>) offsets(%dma_start3A_696 : memref<128xi32, #tpu.memory_space<vmem>>) semaphore(%arg8 : memref<!tpu.dma_semaphore, #tpu.memory_space<semaphore_mem>>)
    }
    %scan3A_230 = arith.constant 31 : i32
    %dma_wait3A_231 = arith.constant 0 : i32
    %dma_wait3A_232 = arith.constant 0 : i32
    %dma_wait3A_233 = arith.constant 0 : i32
    %dma_wait3A_234 = tpu.memref_slice %arg6[%dma_wait3A_232, %dma_wait3A_233] : memref<768x128xf32, #tpu.memory_space<vmem>> -> memref<128x128xf32, #tpu.memory_space<vmem>>
    %dma_wait3A_235 = arith.constant 0 : i32
    %dma_wait3A_236 = tpu.memref_slice %arg5[%dma_wait3A_231, %dma_wait3A_235] : memref<200x128xi32, #tpu.memory_space<vmem>> -> memref<1x128xi32, #tpu.memory_space<vmem>>
    %dma_wait3A_237 = tpu.memref_squeeze %dma_wait3A_236 : memref<1x128xi32, #tpu.memory_space<vmem>> -> memref<128xi32, #tpu.memory_space<vmem>>
    %dma_wait3A_238 = arith.constant 0 : i32
    %dma_wait3A_239 = arith.constant 0 : i32
    %dma_wait3A_240 = tpu.memref_slice %arg2[%dma_wait3A_238, %dma_wait3A_239] : memref<100000x128xf32, #tpu.memory_space<hbm>> -> memref<100000x128xf32, #tpu.memory_space<hbm>>
    tpu.wait_indirect_dma semaphore(%arg7 : memref<!tpu.dma_semaphore, #tpu.memory_space<semaphore_mem>>) src(%dma_wait3A_240 : memref<100000x128xf32, #tpu.memory_space<hbm>>) dst(%dma_wait3A_234 : memref<128x128xf32, #tpu.memory_space<vmem>>)
    %dma_wait3A_241 = arith.constant 0 : i32
    %dma_wait3A_242 = arith.constant 128 : i32
    %dma_wait3A_243 = arith.constant 0 : i32
    %dma_wait3A_244 = tpu.memref_slice %arg6[%dma_wait3A_242, %dma_wait3A_243] : memref<768x128xf32, #tpu.memory_space<vmem>> -> memref<128x128xf32, #tpu.memory_space<vmem>>
    %dma_wait3A_245 = arith.constant 0 : i32
    %dma_wait3A_246 = tpu.memref_slice %arg5[%dma_wait3A_241, %dma_wait3A_245] : memref<200x128xi32, #tpu.memory_space<vmem>> -> memref<1x128xi32, #tpu.memory_space<vmem>>
    %dma_wait3A_247 = tpu.memref_squeeze %dma_wait3A_246 : memref<1x128xi32, #tpu.memory_space<vmem>> -> memref<128xi32, #tpu.memory_space<vmem>>
    %dma_wait3A_248 = arith.constant 0 : i32
    %dma_wait3A_249 = arith.constant 0 : i32
    %dma_wait3A_250 = tpu.memref_slice %arg2[%dma_wait3A_248, %dma_wait3A_249] : memref<100000x128xf32, #tpu.memory_space<hbm>> -> memref<100000x128xf32, #tpu.memory_space<hbm>>
    tpu.wait_indirect_dma semaphore(%arg7 : memref<!tpu.dma_semaphore, #tpu.memory_space<semaphore_mem>>) src(%dma_wait3A_250 : memref<100000x128xf32, #tpu.memory_space<hbm>>) dst(%dma_wait3A_244 : memref<128x128xf32, #tpu.memory_space<vmem>>)
    %add3A_251 = arith.constant 24576 : i32
    %add3A_252 = arith.addi %mul3A_4, %add3A_251 : i32
    %dma_start3A_253 = arith.constant 0 : i32
    %dma_start3A_254 = arith.constant 0 : i32
    %dma_start3A_255 = tpu.memref_slice %arg6[%dma_start3A_253, %dma_start3A_254] : memref<768x128xf32, #tpu.memory_space<vmem>> -> memref<256x128xf32, #tpu.memory_space<vmem>>
    %dma_start3A_256 = arith.constant 0 : i32
    %dma_start3A_257 = tpu.memref_slice %arg4[%add3A_252, %dma_start3A_256] : memref<819200x128xf32, #tpu.memory_space<hbm>> -> memref<256x128xf32, #tpu.memory_space<hbm>>
    %dma_start3A_258 = arith.constant 0 : i32
    %dma_start3A_259 = tpu.memref_slice %arg4[%add3A_252, %dma_start3A_258] : memref<819200x128xf32, #tpu.memory_space<hbm>> -> memref<256x128xf32, #tpu.memory_space<hbm>>
    %dma_start3A_260 = arith.constant 0 : i32
    %dma_start3A_261 = arith.constant 0 : i32
    %dma_start3A_262 = tpu.memref_slice %arg6[%dma_start3A_260, %dma_start3A_261] : memref<768x128xf32, #tpu.memory_space<vmem>> -> memref<256x128xf32, #tpu.memory_space<vmem>>
    tpu.enqueue_dma source(%dma_start3A_262 : memref<256x128xf32, #tpu.memory_space<vmem>>) target(%dma_start3A_259 : memref<256x128xf32, #tpu.memory_space<hbm>>) target_semaphore(%arg10 : memref<!tpu.dma_semaphore, #tpu.memory_space<semaphore_mem>>)
    %dma_wait3A_263 = arith.constant 512 : i32
    %dma_wait3A_264 = arith.constant 0 : i32
    %dma_wait3A_265 = tpu.memref_slice %arg6[%dma_wait3A_263, %dma_wait3A_264] : memref<768x128xf32, #tpu.memory_space<vmem>> -> memref<256x128xf32, #tpu.memory_space<vmem>>
    %dma_wait3A_266 = arith.constant 0 : i32
    %dma_wait3A_267 = arith.constant 0 : i32
    %dma_wait3A_268 = tpu.memref_slice %arg4[%dma_wait3A_266, %dma_wait3A_267] : memref<819200x128xf32, #tpu.memory_space<hbm>> -> memref<256x128xf32, #tpu.memory_space<hbm>>
    %dma_wait3A_269 = arith.constant 0 : i32
    %dma_wait3A_270 = arith.constant 0 : i32
    %dma_wait3A_271 = tpu.memref_slice %arg4[%dma_wait3A_269, %dma_wait3A_270] : memref<819200x128xf32, #tpu.memory_space<hbm>> -> memref<256x128xf32, #tpu.memory_space<hbm>>
    %dma_wait3A_272 = arith.constant 512 : i32
    %dma_wait3A_273 = arith.constant 0 : i32
    %dma_wait3A_274 = tpu.memref_slice %arg6[%dma_wait3A_272, %dma_wait3A_273] : memref<768x128xf32, #tpu.memory_space<vmem>> -> memref<256x128xf32, #tpu.memory_space<vmem>>
    tpu.wait_dma2 semaphore(%arg12 : memref<!tpu.dma_semaphore, #tpu.memory_space<semaphore_mem>>) src(%dma_wait3A_274 : memref<256x128xf32, #tpu.memory_space<vmem>>) dst(%dma_wait3A_271 : memref<256x128xf32, #tpu.memory_space<hbm>>)
    %dma_start3A_275 = arith.constant 196 : i32
    %dma_start3A_276 = arith.constant 512 : i32
    %dma_start3A_277 = arith.constant 0 : i32
    %dma_start3A_278 = tpu.memref_slice %arg6[%dma_start3A_276, %dma_start3A_277] : memref<768x128xf32, #tpu.memory_space<vmem>> -> memref<128x128xf32, #tpu.memory_space<vmem>>
    %dma_start3A_279 = arith.constant 0 : i32
    %dma_start3A_280 = tpu.memref_slice %arg5[%dma_start3A_275, %dma_start3A_279] : memref<200x128xi32, #tpu.memory_space<vmem>> -> memref<1x128xi32, #tpu.memory_space<vmem>>
    %dma_start3A_281 = tpu.memref_squeeze %dma_start3A_280 : memref<1x128xi32, #tpu.memory_space<vmem>> -> memref<128xi32, #tpu.memory_space<vmem>>
    %dma_start3A_282 = arith.constant 0 : i32
    %dma_start3A_283 = arith.constant 0 : i32
    %dma_start3A_284 = tpu.memref_slice %arg2[%dma_start3A_282, %dma_start3A_283] : memref<100000x128xf32, #tpu.memory_space<hbm>> -> memref<100000x128xf32, #tpu.memory_space<hbm>>
    tpu.enqueue_indirect_dma source(%dma_start3A_284 : memref<100000x128xf32, #tpu.memory_space<hbm>>) target(%dma_start3A_278 : memref<128x128xf32, #tpu.memory_space<vmem>>) offsets(%dma_start3A_281 : memref<128xi32, #tpu.memory_space<vmem>>) semaphore(%arg9 : memref<!tpu.dma_semaphore, #tpu.memory_space<semaphore_mem>>)
    %dma_start3A_285 = arith.constant 197 : i32
    %dma_start3A_286 = arith.constant 640 : i32
    %dma_start3A_287 = arith.constant 0 : i32
    %dma_start3A_288 = tpu.memref_slice %arg6[%dma_start3A_286, %dma_start3A_287] : memref<768x128xf32, #tpu.memory_space<vmem>> -> memref<128x128xf32, #tpu.memory_space<vmem>>
    %dma_start3A_289 = arith.constant 0 : i32
    %dma_start3A_290 = tpu.memref_slice %arg5[%dma_start3A_285, %dma_start3A_289] : memref<200x128xi32, #tpu.memory_space<vmem>> -> memref<1x128xi32, #tpu.memory_space<vmem>>
    %dma_start3A_291 = tpu.memref_squeeze %dma_start3A_290 : memref<1x128xi32, #tpu.memory_space<vmem>> -> memref<128xi32, #tpu.memory_space<vmem>>
    %dma_start3A_292 = arith.constant 0 : i32
    %dma_start3A_293 = arith.constant 0 : i32
    %dma_start3A_294 = tpu.memref_slice %arg2[%dma_start3A_292, %dma_start3A_293] : memref<100000x128xf32, #tpu.memory_space<hbm>> -> memref<100000x128xf32, #tpu.memory_space<hbm>>
    tpu.enqueue_indirect_dma source(%dma_start3A_294 : memref<100000x128xf32, #tpu.memory_space<hbm>>) target(%dma_start3A_288 : memref<128x128xf32, #tpu.memory_space<vmem>>) offsets(%dma_start3A_291 : memref<128xi32, #tpu.memory_space<vmem>>) semaphore(%arg9 : memref<!tpu.dma_semaphore, #tpu.memory_space<semaphore_mem>>)
    %dma_wait3A_295 = arith.constant 0 : i32
    %dma_wait3A_296 = arith.constant 256 : i32
    %dma_wait3A_297 = arith.constant 0 : i32
    %dma_wait3A_298 = tpu.memref_slice %arg6[%dma_wait3A_296, %dma_wait3A_297] : memref<768x128xf32, #tpu.memory_space<vmem>> -> memref<128x128xf32, #tpu.memory_space<vmem>>
    %dma_wait3A_299 = arith.constant 0 : i32
    %dma_wait3A_300 = tpu.memref_slice %arg5[%dma_wait3A_295, %dma_wait3A_299] : memref<200x128xi32, #tpu.memory_space<vmem>> -> memref<1x128xi32, #tpu.memory_space<vmem>>
    %dma_wait3A_301 = tpu.memref_squeeze %dma_wait3A_300 : memref<1x128xi32, #tpu.memory_space<vmem>> -> memref<128xi32, #tpu.memory_space<vmem>>
    %dma_wait3A_302 = arith.constant 0 : i32
    %dma_wait3A_303 = arith.constant 0 : i32
    %dma_wait3A_304 = tpu.memref_slice %arg2[%dma_wait3A_302, %dma_wait3A_303] : memref<100000x128xf32, #tpu.memory_space<hbm>> -> memref<100000x128xf32, #tpu.memory_space<hbm>>
    tpu.wait_indirect_dma semaphore(%arg8 : memref<!tpu.dma_semaphore, #tpu.memory_space<semaphore_mem>>) src(%dma_wait3A_304 : memref<100000x128xf32, #tpu.memory_space<hbm>>) dst(%dma_wait3A_298 : memref<128x128xf32, #tpu.memory_space<vmem>>)
    %dma_wait3A_305 = arith.constant 0 : i32
    %dma_wait3A_306 = arith.constant 384 : i32
    %dma_wait3A_307 = arith.constant 0 : i32
    %dma_wait3A_308 = tpu.memref_slice %arg6[%dma_wait3A_306, %dma_wait3A_307] : memref<768x128xf32, #tpu.memory_space<vmem>> -> memref<128x128xf32, #tpu.memory_space<vmem>>
    %dma_wait3A_309 = arith.constant 0 : i32
    %dma_wait3A_310 = tpu.memref_slice %arg5[%dma_wait3A_305, %dma_wait3A_309] : memref<200x128xi32, #tpu.memory_space<vmem>> -> memref<1x128xi32, #tpu.memory_space<vmem>>
    %dma_wait3A_311 = tpu.memref_squeeze %dma_wait3A_310 : memref<1x128xi32, #tpu.memory_space<vmem>> -> memref<128xi32, #tpu.memory_space<vmem>>
    %dma_wait3A_312 = arith.constant 0 : i32
    %dma_wait3A_313 = arith.constant 0 : i32
    %dma_wait3A_314 = tpu.memref_slice %arg2[%dma_wait3A_312, %dma_wait3A_313] : memref<100000x128xf32, #tpu.memory_space<hbm>> -> memref<100000x128xf32, #tpu.memory_space<hbm>>
    tpu.wait_indirect_dma semaphore(%arg8 : memref<!tpu.dma_semaphore, #tpu.memory_space<semaphore_mem>>) src(%dma_wait3A_314 : memref<100000x128xf32, #tpu.memory_space<hbm>>) dst(%dma_wait3A_308 : memref<128x128xf32, #tpu.memory_space<vmem>>)
    %add3A_315 = arith.constant 24832 : i32
    %add3A_316 = arith.addi %mul3A_4, %add3A_315 : i32
    %dma_start3A_317 = arith.constant 256 : i32
    %dma_start3A_318 = arith.constant 0 : i32
    %dma_start3A_319 = tpu.memref_slice %arg6[%dma_start3A_317, %dma_start3A_318] : memref<768x128xf32, #tpu.memory_space<vmem>> -> memref<256x128xf32, #tpu.memory_space<vmem>>
    %dma_start3A_320 = arith.constant 0 : i32
    %dma_start3A_321 = tpu.memref_slice %arg4[%add3A_316, %dma_start3A_320] : memref<819200x128xf32, #tpu.memory_space<hbm>> -> memref<256x128xf32, #tpu.memory_space<hbm>>
    %dma_start3A_322 = arith.constant 0 : i32
    %dma_start3A_323 = tpu.memref_slice %arg4[%add3A_316, %dma_start3A_322] : memref<819200x128xf32, #tpu.memory_space<hbm>> -> memref<256x128xf32, #tpu.memory_space<hbm>>
    %dma_start3A_324 = arith.constant 256 : i32
    %dma_start3A_325 = arith.constant 0 : i32
    %dma_start3A_326 = tpu.memref_slice %arg6[%dma_start3A_324, %dma_start3A_325] : memref<768x128xf32, #tpu.memory_space<vmem>> -> memref<256x128xf32, #tpu.memory_space<vmem>>
    tpu.enqueue_dma source(%dma_start3A_326 : memref<256x128xf32, #tpu.memory_space<vmem>>) target(%dma_start3A_323 : memref<256x128xf32, #tpu.memory_space<hbm>>) target_semaphore(%arg11 : memref<!tpu.dma_semaphore, #tpu.memory_space<semaphore_mem>>)
    %dma_wait3A_327 = arith.constant 0 : i32
    %dma_wait3A_328 = arith.constant 0 : i32
    %dma_wait3A_329 = tpu.memref_slice %arg6[%dma_wait3A_327, %dma_wait3A_328] : memref<768x128xf32, #tpu.memory_space<vmem>> -> memref<256x128xf32, #tpu.memory_space<vmem>>
    %dma_wait3A_330 = arith.constant 0 : i32
    %dma_wait3A_331 = arith.constant 0 : i32
    %dma_wait3A_332 = tpu.memref_slice %arg4[%dma_wait3A_330, %dma_wait3A_331] : memref<819200x128xf32, #tpu.memory_space<hbm>> -> memref<256x128xf32, #tpu.memory_space<hbm>>
    %dma_wait3A_333 = arith.constant 0 : i32
    %dma_wait3A_334 = arith.constant 0 : i32
    %dma_wait3A_335 = tpu.memref_slice %arg4[%dma_wait3A_333, %dma_wait3A_334] : memref<819200x128xf32, #tpu.memory_space<hbm>> -> memref<256x128xf32, #tpu.memory_space<hbm>>
    %dma_wait3A_336 = arith.constant 0 : i32
    %dma_wait3A_337 = arith.constant 0 : i32
    %dma_wait3A_338 = tpu.memref_slice %arg6[%dma_wait3A_336, %dma_wait3A_337] : memref<768x128xf32, #tpu.memory_space<vmem>> -> memref<256x128xf32, #tpu.memory_space<vmem>>
    tpu.wait_dma2 semaphore(%arg10 : memref<!tpu.dma_semaphore, #tpu.memory_space<semaphore_mem>>) src(%dma_wait3A_338 : memref<256x128xf32, #tpu.memory_space<vmem>>) dst(%dma_wait3A_335 : memref<256x128xf32, #tpu.memory_space<hbm>>)
    %dma_start3A_339 = arith.constant 198 : i32
    %dma_start3A_340 = arith.constant 0 : i32
    %dma_start3A_341 = arith.constant 0 : i32
    %dma_start3A_342 = tpu.memref_slice %arg6[%dma_start3A_340, %dma_start3A_341] : memref<768x128xf32, #tpu.memory_space<vmem>> -> memref<128x128xf32, #tpu.memory_space<vmem>>
    %dma_start3A_343 = arith.constant 0 : i32
    %dma_start3A_344 = tpu.memref_slice %arg5[%dma_start3A_339, %dma_start3A_343] : memref<200x128xi32, #tpu.memory_space<vmem>> -> memref<1x128xi32, #tpu.memory_space<vmem>>
    %dma_start3A_345 = tpu.memref_squeeze %dma_start3A_344 : memref<1x128xi32, #tpu.memory_space<vmem>> -> memref<128xi32, #tpu.memory_space<vmem>>
    %dma_start3A_346 = arith.constant 0 : i32
    %dma_start3A_347 = arith.constant 0 : i32
    %dma_start3A_348 = tpu.memref_slice %arg2[%dma_start3A_346, %dma_start3A_347] : memref<100000x128xf32, #tpu.memory_space<hbm>> -> memref<100000x128xf32, #tpu.memory_space<hbm>>
    tpu.enqueue_indirect_dma source(%dma_start3A_348 : memref<100000x128xf32, #tpu.memory_space<hbm>>) target(%dma_start3A_342 : memref<128x128xf32, #tpu.memory_space<vmem>>) offsets(%dma_start3A_345 : memref<128xi32, #tpu.memory_space<vmem>>) semaphore(%arg7 : memref<!tpu.dma_semaphore, #tpu.memory_space<semaphore_mem>>)
    %dma_start3A_349 = arith.constant 199 : i32
    %dma_start3A_350 = arith.constant 128 : i32
    %dma_start3A_351 = arith.constant 0 : i32
    %dma_start3A_352 = tpu.memref_slice %arg6[%dma_start3A_350, %dma_start3A_351] : memref<768x128xf32, #tpu.memory_space<vmem>> -> memref<128x128xf32, #tpu.memory_space<vmem>>
    %dma_start3A_353 = arith.constant 0 : i32
    %dma_start3A_354 = tpu.memref_slice %arg5[%dma_start3A_349, %dma_start3A_353] : memref<200x128xi32, #tpu.memory_space<vmem>> -> memref<1x128xi32, #tpu.memory_space<vmem>>
    %dma_start3A_355 = tpu.memref_squeeze %dma_start3A_354 : memref<1x128xi32, #tpu.memory_space<vmem>> -> memref<128xi32, #tpu.memory_space<vmem>>
    %dma_start3A_356 = arith.constant 0 : i32
    %dma_start3A_357 = arith.constant 0 : i32
    %dma_start3A_358 = tpu.memref_slice %arg2[%dma_start3A_356, %dma_start3A_357] : memref<100000x128xf32, #tpu.memory_space<hbm>> -> memref<100000x128xf32, #tpu.memory_space<hbm>>
    tpu.enqueue_indirect_dma source(%dma_start3A_358 : memref<100000x128xf32, #tpu.memory_space<hbm>>) target(%dma_start3A_352 : memref<128x128xf32, #tpu.memory_space<vmem>>) offsets(%dma_start3A_355 : memref<128xi32, #tpu.memory_space<vmem>>) semaphore(%arg7 : memref<!tpu.dma_semaphore, #tpu.memory_space<semaphore_mem>>)
    %dma_wait3A_359 = arith.constant 0 : i32
    %dma_wait3A_360 = arith.constant 512 : i32
    %dma_wait3A_361 = arith.constant 0 : i32
    %dma_wait3A_362 = tpu.memref_slice %arg6[%dma_wait3A_360, %dma_wait3A_361] : memref<768x128xf32, #tpu.memory_space<vmem>> -> memref<128x128xf32, #tpu.memory_space<vmem>>
    %dma_wait3A_363 = arith.constant 0 : i32
    %dma_wait3A_364 = tpu.memref_slice %arg5[%dma_wait3A_359, %dma_wait3A_363] : memref<200x128xi32, #tpu.memory_space<vmem>> -> memref<1x128xi32, #tpu.memory_space<vmem>>
    %dma_wait3A_365 = tpu.memref_squeeze %dma_wait3A_364 : memref<1x128xi32, #tpu.memory_space<vmem>> -> memref<128xi32, #tpu.memory_space<vmem>>
    %dma_wait3A_366 = arith.constant 0 : i32
    %dma_wait3A_367 = arith.constant 0 : i32
    %dma_wait3A_368 = tpu.memref_slice %arg2[%dma_wait3A_366, %dma_wait3A_367] : memref<100000x128xf32, #tpu.memory_space<hbm>> -> memref<100000x128xf32, #tpu.memory_space<hbm>>
    tpu.wait_indirect_dma semaphore(%arg9 : memref<!tpu.dma_semaphore, #tpu.memory_space<semaphore_mem>>) src(%dma_wait3A_368 : memref<100000x128xf32, #tpu.memory_space<hbm>>) dst(%dma_wait3A_362 : memref<128x128xf32, #tpu.memory_space<vmem>>)
    %dma_wait3A_369 = arith.constant 0 : i32
    %dma_wait3A_370 = arith.constant 640 : i32
    %dma_wait3A_371 = arith.constant 0 : i32
    %dma_wait3A_372 = tpu.memref_slice %arg6[%dma_wait3A_370, %dma_wait3A_371] : memref<768x128xf32, #tpu.memory_space<vmem>> -> memref<128x128xf32, #tpu.memory_space<vmem>>
    %dma_wait3A_373 = arith.constant 0 : i32
    %dma_wait3A_374 = tpu.memref_slice %arg5[%dma_wait3A_369, %dma_wait3A_373] : memref<200x128xi32, #tpu.memory_space<vmem>> -> memref<1x128xi32, #tpu.memory_space<vmem>>
    %dma_wait3A_375 = tpu.memref_squeeze %dma_wait3A_374 : memref<1x128xi32, #tpu.memory_space<vmem>> -> memref<128xi32, #tpu.memory_space<vmem>>
    %dma_wait3A_376 = arith.constant 0 : i32
    %dma_wait3A_377 = arith.constant 0 : i32
    %dma_wait3A_378 = tpu.memref_slice %arg2[%dma_wait3A_376, %dma_wait3A_377] : memref<100000x128xf32, #tpu.memory_space<hbm>> -> memref<100000x128xf32, #tpu.memory_space<hbm>>
    tpu.wait_indirect_dma semaphore(%arg9 : memref<!tpu.dma_semaphore, #tpu.memory_space<semaphore_mem>>) src(%dma_wait3A_378 : memref<100000x128xf32, #tpu.memory_space<hbm>>) dst(%dma_wait3A_372 : memref<128x128xf32, #tpu.memory_space<vmem>>)
    %add3A_379 = arith.constant 25088 : i32
    %add3A_380 = arith.addi %mul3A_4, %add3A_379 : i32
    %dma_start3A_381 = arith.constant 512 : i32
    %dma_start3A_382 = arith.constant 0 : i32
    %dma_start3A_383 = tpu.memref_slice %arg6[%dma_start3A_381, %dma_start3A_382] : memref<768x128xf32, #tpu.memory_space<vmem>> -> memref<256x128xf32, #tpu.memory_space<vmem>>
    %dma_start3A_384 = arith.constant 0 : i32
    %dma_start3A_385 = tpu.memref_slice %arg4[%add3A_380, %dma_start3A_384] : memref<819200x128xf32, #tpu.memory_space<hbm>> -> memref<256x128xf32, #tpu.memory_space<hbm>>
    %dma_start3A_386 = arith.constant 0 : i32
    %dma_start3A_387 = tpu.memref_slice %arg4[%add3A_380, %dma_start3A_386] : memref<819200x128xf32, #tpu.memory_space<hbm>> -> memref<256x128xf32, #tpu.memory_space<hbm>>
    %dma_start3A_388 = arith.constant 512 : i32
    %dma_start3A_389 = arith.constant 0 : i32
    %dma_start3A_390 = tpu.memref_slice %arg6[%dma_start3A_388, %dma_start3A_389] : memref<768x128xf32, #tpu.memory_space<vmem>> -> memref<256x128xf32, #tpu.memory_space<vmem>>
    tpu.enqueue_dma source(%dma_start3A_390 : memref<256x128xf32, #tpu.memory_space<vmem>>) target(%dma_start3A_387 : memref<256x128xf32, #tpu.memory_space<hbm>>) target_semaphore(%arg12 : memref<!tpu.dma_semaphore, #tpu.memory_space<semaphore_mem>>)
    %dma_wait3A_391 = arith.constant 0 : i32
    %dma_wait3A_392 = arith.constant 0 : i32
    %dma_wait3A_393 = arith.constant 0 : i32
    %dma_wait3A_394 = tpu.memref_slice %arg6[%dma_wait3A_392, %dma_wait3A_393] : memref<768x128xf32, #tpu.memory_space<vmem>> -> memref<128x128xf32, #tpu.memory_space<vmem>>
    %dma_wait3A_395 = arith.constant 0 : i32
    %dma_wait3A_396 = tpu.memref_slice %arg5[%dma_wait3A_391, %dma_wait3A_395] : memref<200x128xi32, #tpu.memory_space<vmem>> -> memref<1x128xi32, #tpu.memory_space<vmem>>
    %dma_wait3A_397 = tpu.memref_squeeze %dma_wait3A_396 : memref<1x128xi32, #tpu.memory_space<vmem>> -> memref<128xi32, #tpu.memory_space<vmem>>
    %dma_wait3A_398 = arith.constant 0 : i32
    %dma_wait3A_399 = arith.constant 0 : i32
    %dma_wait3A_400 = tpu.memref_slice %arg2[%dma_wait3A_398, %dma_wait3A_399] : memref<100000x128xf32, #tpu.memory_space<hbm>> -> memref<100000x128xf32, #tpu.memory_space<hbm>>
    tpu.wait_indirect_dma semaphore(%arg7 : memref<!tpu.dma_semaphore, #tpu.memory_space<semaphore_mem>>) src(%dma_wait3A_400 : memref<100000x128xf32, #tpu.memory_space<hbm>>) dst(%dma_wait3A_394 : memref<128x128xf32, #tpu.memory_space<vmem>>)
    %dma_wait3A_401 = arith.constant 0 : i32
    %dma_wait3A_402 = arith.constant 128 : i32
    %dma_wait3A_403 = arith.constant 0 : i32
    %dma_wait3A_404 = tpu.memref_slice %arg6[%dma_wait3A_402, %dma_wait3A_403] : memref<768x128xf32, #tpu.memory_space<vmem>> -> memref<128x128xf32, #tpu.memory_space<vmem>>
    %dma_wait3A_405 = arith.constant 0 : i32
    %dma_wait3A_406 = tpu.memref_slice %arg5[%dma_wait3A_401, %dma_wait3A_405] : memref<200x128xi32, #tpu.memory_space<vmem>> -> memref<1x128xi32, #tpu.memory_space<vmem>>
    %dma_wait3A_407 = tpu.memref_squeeze %dma_wait3A_406 : memref<1x128xi32, #tpu.memory_space<vmem>> -> memref<128xi32, #tpu.memory_space<vmem>>
    %dma_wait3A_408 = arith.constant 0 : i32
    %dma_wait3A_409 = arith.constant 0 : i32
    %dma_wait3A_410 = tpu.memref_slice %arg2[%dma_wait3A_408, %dma_wait3A_409] : memref<100000x128xf32, #tpu.memory_space<hbm>> -> memref<100000x128xf32, #tpu.memory_space<hbm>>
    tpu.wait_indirect_dma semaphore(%arg7 : memref<!tpu.dma_semaphore, #tpu.memory_space<semaphore_mem>>) src(%dma_wait3A_410 : memref<100000x128xf32, #tpu.memory_space<hbm>>) dst(%dma_wait3A_404 : memref<128x128xf32, #tpu.memory_space<vmem>>)
    %add3A_411 = arith.constant 25344 : i32
    %add3A_412 = arith.addi %mul3A_4, %add3A_411 : i32
    %dma_start3A_413 = arith.constant 0 : i32
    %dma_start3A_414 = arith.constant 0 : i32
    %dma_start3A_415 = tpu.memref_slice %arg6[%dma_start3A_413, %dma_start3A_414] : memref<768x128xf32, #tpu.memory_space<vmem>> -> memref<256x128xf32, #tpu.memory_space<vmem>>
    %dma_start3A_416 = arith.constant 0 : i32
    %dma_start3A_417 = tpu.memref_slice %arg4[%add3A_412, %dma_start3A_416] : memref<819200x128xf32, #tpu.memory_space<hbm>> -> memref<256x128xf32, #tpu.memory_space<hbm>>
    %dma_start3A_418 = arith.constant 0 : i32
    %dma_start3A_419 = tpu.memref_slice %arg4[%add3A_412, %dma_start3A_418] : memref<819200x128xf32, #tpu.memory_space<hbm>> -> memref<256x128xf32, #tpu.memory_space<hbm>>
    %dma_start3A_420 = arith.constant 0 : i32
    %dma_start3A_421 = arith.constant 0 : i32
    %dma_start3A_422 = tpu.memref_slice %arg6[%dma_start3A_420, %dma_start3A_421] : memref<768x128xf32, #tpu.memory_space<vmem>> -> memref<256x128xf32, #tpu.memory_space<vmem>>
    tpu.enqueue_dma source(%dma_start3A_422 : memref<256x128xf32, #tpu.memory_space<vmem>>) target(%dma_start3A_419 : memref<256x128xf32, #tpu.memory_space<hbm>>) target_semaphore(%arg10 : memref<!tpu.dma_semaphore, #tpu.memory_space<semaphore_mem>>)
    %dma_wait3A_423 = arith.constant 0 : i32
    %dma_wait3A_424 = arith.constant 0 : i32
    %dma_wait3A_425 = tpu.memref_slice %arg6[%dma_wait3A_423, %dma_wait3A_424] : memref<768x128xf32, #tpu.memory_space<vmem>> -> memref<256x128xf32, #tpu.memory_space<vmem>>
    %dma_wait3A_426 = arith.constant 0 : i32
    %dma_wait3A_427 = arith.constant 0 : i32
    %dma_wait3A_428 = tpu.memref_slice %arg4[%dma_wait3A_426, %dma_wait3A_427] : memref<819200x128xf32, #tpu.memory_space<hbm>> -> memref<256x128xf32, #tpu.memory_space<hbm>>
    %dma_wait3A_429 = arith.constant 0 : i32
    %dma_wait3A_430 = arith.constant 0 : i32
    %dma_wait3A_431 = tpu.memref_slice %arg4[%dma_wait3A_429, %dma_wait3A_430] : memref<819200x128xf32, #tpu.memory_space<hbm>> -> memref<256x128xf32, #tpu.memory_space<hbm>>
    %dma_wait3A_432 = arith.constant 0 : i32
    %dma_wait3A_433 = arith.constant 0 : i32
    %dma_wait3A_434 = tpu.memref_slice %arg6[%dma_wait3A_432, %dma_wait3A_433] : memref<768x128xf32, #tpu.memory_space<vmem>> -> memref<256x128xf32, #tpu.memory_space<vmem>>
    tpu.wait_dma2 semaphore(%arg10 : memref<!tpu.dma_semaphore, #tpu.memory_space<semaphore_mem>>) src(%dma_wait3A_434 : memref<256x128xf32, #tpu.memory_space<vmem>>) dst(%dma_wait3A_431 : memref<256x128xf32, #tpu.memory_space<hbm>>)
    %dma_wait3A_435 = arith.constant 256 : i32
    %dma_wait3A_436 = arith.constant 0 : i32
    %dma_wait3A_437 = tpu.memref_slice %arg6[%dma_wait3A_435, %dma_wait3A_436] : memref<768x128xf32, #tpu.memory_space<vmem>> -> memref<256x128xf32, #tpu.memory_space<vmem>>
    %dma_wait3A_438 = arith.constant 0 : i32
    %dma_wait3A_439 = arith.constant 0 : i32
    %dma_wait3A_440 = tpu.memref_slice %arg4[%dma_wait3A_438, %dma_wait3A_439] : memref<819200x128xf32, #tpu.memory_space<hbm>> -> memref<256x128xf32, #tpu.memory_space<hbm>>
    %dma_wait3A_441 = arith.constant 0 : i32
    %dma_wait3A_442 = arith.constant 0 : i32
    %dma_wait3A_443 = tpu.memref_slice %arg4[%dma_wait3A_441, %dma_wait3A_442] : memref<819200x128xf32, #tpu.memory_space<hbm>> -> memref<256x128xf32, #tpu.memory_space<hbm>>
    %dma_wait3A_444 = arith.constant 256 : i32
    %dma_wait3A_445 = arith.constant 0 : i32
    %dma_wait3A_446 = tpu.memref_slice %arg6[%dma_wait3A_444, %dma_wait3A_445] : memref<768x128xf32, #tpu.memory_space<vmem>> -> memref<256x128xf32, #tpu.memory_space<vmem>>
    tpu.wait_dma2 semaphore(%arg11 : memref<!tpu.dma_semaphore, #tpu.memory_space<semaphore_mem>>) src(%dma_wait3A_446 : memref<256x128xf32, #tpu.memory_space<vmem>>) dst(%dma_wait3A_443 : memref<256x128xf32, #tpu.memory_space<hbm>>)
    %dma_wait3A_447 = arith.constant 512 : i32
    %dma_wait3A_448 = arith.constant 0 : i32
    %dma_wait3A_449 = tpu.memref_slice %arg6[%dma_wait3A_447, %dma_wait3A_448] : memref<768x128xf32, #tpu.memory_space<vmem>> -> memref<256x128xf32, #tpu.memory_space<vmem>>
    %dma_wait3A_450 = arith.constant 0 : i32
    %dma_wait3A_451 = arith.constant 0 : i32
    %dma_wait3A_452 = tpu.memref_slice %arg4[%dma_wait3A_450, %dma_wait3A_451] : memref<819200x128xf32, #tpu.memory_space<hbm>> -> memref<256x128xf32, #tpu.memory_space<hbm>>
    %dma_wait3A_453 = arith.constant 0 : i32
    %dma_wait3A_454 = arith.constant 0 : i32
    %dma_wait3A_455 = tpu.memref_slice %arg4[%dma_wait3A_453, %dma_wait3A_454] : memref<819200x128xf32, #tpu.memory_space<hbm>> -> memref<256x128xf32, #tpu.memory_space<hbm>>
    %dma_wait3A_456 = arith.constant 512 : i32
    %dma_wait3A_457 = arith.constant 0 : i32
    %dma_wait3A_458 = tpu.memref_slice %arg6[%dma_wait3A_456, %dma_wait3A_457] : memref<768x128xf32, #tpu.memory_space<vmem>> -> memref<256x128xf32, #tpu.memory_space<vmem>>
    tpu.wait_dma2 semaphore(%arg12 : memref<!tpu.dma_semaphore, #tpu.memory_space<semaphore_mem>>) src(%dma_wait3A_458 : memref<256x128xf32, #tpu.memory_space<vmem>>) dst(%dma_wait3A_455 : memref<256x128xf32, #tpu.memory_space<hbm>>)
    return
  }
}

module attributes {stable_mosaic.version = 14 : i64} {
  func.func @body(%arg0: memref<4096x200xi32, #tpu.memory_space<vmem>>, %arg1: memref<4096x200xi32, #tpu.memory_space<vmem>>, %arg2: memref<4096x1xi32, #tpu.memory_space<vmem>>) attributes {dimension_semantics = [], scalar_prefetch = 0 : i64, scratch_operands = 0 : i64, tpu.core_type = #tpu.core_type<tc>} {
    %get3A = arith.constant 0 : index
    %get3A_0 = arith.constant 0 : index
    %get3A_1 = vector.load %arg0[%get3A, %get3A_0] : memref<4096x200xi32, #tpu.memory_space<vmem>>, vector<4096x200xi32>
    %ne3A = arith.constant 0 : i32
    %ne3A_2 = vector.broadcast %ne3A : i32 to vector<4096x200xi32>
    %ne3A_3 = arith.cmpi ne, %get3A_1, %ne3A_2 : vector<4096x200xi32>
    %swap3A = arith.constant 0 : index
    %swap3A_4 = arith.constant 0 : index
    %swap3A_5 = vector.load %arg1[%swap3A, %swap3A_4] : memref<4096x200xi32, #tpu.memory_space<vmem>>, vector<4096x200xi32>
    %swap3A_6 = arith.extui %ne3A_3 : vector<4096x200xi1> to vector<4096x200xi32>
    %swap3A_7 = arith.constant dense<0> : vector<4096x200xi32>
    %swap3A_8 = arith.cmpi ne, %swap3A_5, %swap3A_7 : vector<4096x200xi32>
    tpu.vector_store %arg1[%swap3A, %swap3A_4], %swap3A_6 {strides = array<i32>} : memref<4096x200xi32, #tpu.memory_space<vmem>>, vector<4096x200xi32>,
    %convert_element_type3A = arith.extui %ne3A_3 : vector<4096x200xi1> to vector<4096x200xi32>
    %reduce_sum3A = arith.constant dense<0> : vector<4096xi32>
    %reduce_sum3A_9 = vector.multi_reduction <add>, %convert_element_type3A, %reduce_sum3A [1] : vector<4096x200xi32> to vector<4096xi32>
    %broadcast_in_dim3A = vector.shape_cast %reduce_sum3A_9 : vector<4096xi32> to vector<4096x1xi32>
    %swap3A_10 = arith.constant 0 : index
    %swap3A_11 = arith.constant 0 : index
    %swap3A_12 = vector.load %arg2[%swap3A_10, %swap3A_11] : memref<4096x1xi32, #tpu.memory_space<vmem>>, vector<4096x1xi32>
    tpu.vector_store %arg2[%swap3A_10, %swap3A_11], %broadcast_in_dim3A {strides = array<i32>} : memref<4096x1xi32, #tpu.memory_space<vmem>>, vector<4096x1xi32>,
    return
  }
}

</mosaic_0001>

<sc_bundles>
// kernel: kernel.4.cloned.1.call-start
scs
__scs_entry_jumppad:
0x0: {  	(pc) =	sbr.rel $0x88, $3  }
0x1: {  	(tag) =	ssettag $0x0;
	lr =	simm.s32 $0x1  }
0x2: {  	[smem:$0x3F9F] =	sst lr;
	_ =	strace $0xD0000000  }
0x3: {  	_ = 	snop  }
0x4: {  	_ = 	snop  }
0x5: {  	_ = 	snop  }
0x6: {  	_ = 	snop  }
0x7: {  	_ = 	snop  }
__scs_overlays_trampoline_lowered:
0x8: {  	[smem:$0x3FAE] =	sst s0  }
0x9: {  	[smem:$0x3FAF] =	sst s1  }
0xa: {  	[smem:$0x3FB0] =	sst s2  }
0xb: {  	[smem:$0x3FB1] =	sst s3  }
0xc: {  	[smem:$0x3FB2] =	sst s4  }
0xd: {  	[smem:$0x3FB3] =	sst s5  }
0xe: {  	[smem:$0x3FB4] =	sst s6  }
0xf: {  	[smem:$0x3FB5] =	sst s7  }
0x10: {  	[smem:$0x3FB6] =	sst s8  }
0x11: {  	[smem:$0x3FB7] =	sst s9;
	s0 =	simm.s32 @!p0 $0x0  }
0x12: {  	s1 =	sld [smem:$0x3F9D];
	s0 =	simm.s32 @p0 $0x1  }
0x13: {  	[smem:$0x3FB8] =	sst s0;
	s0 =	simm.s32 @!p1 $0x0  }
0x14: {  	s2 =	sld [smem:$0x3F9C];
	s0 =	simm.s32 @p1 $0x1  }
0x15: {  	[smem:$0x3FB9] =	sst s0;
	s0 =	simm.s32 @!p2 $0x0  }
0x16: {  	s3 =	sld [smem:$0x3FDB];
	s0 =	simm.s32 @p2 $0x1  }
0x17: {  	s4 =	simm.s32 $0x1BF5;
	[smem:$0x3FBB] =	sst s0  }
0x18: {  	s0 =	sld [smem:$0x3F9E];
	_ =	swait.ge [sflag:s4], $0x0  }
0x19: {  	s7 =	sld [smem:$0x3F9F]  }
0x1a: {  	s8 =	sadd.s32 $0xFFFFE003, lr  }
0x1b: {  	s9 =	sadd.s32 $0xFFFFFEF7, lr;
	s5 =	simm.s32 $0xFFFFFFFF;
	p2 =	slt.u32 s8, $0xFFFFF086  }
0x1c: {  	p1 =	slt.u32 s9, $0xF7A;
	s5 =	simm.s32 @!p2 $0x0  }
0x1d: {  	s5 =	simm.s32 @p1 $0x1;
	p0 =	seq.s32 s7, s2  }
0x1e: {  	s7 =	smul.u32 @!p0 $0xF7A, s2;
	p2 =	seq.s32 @!p0 s5, $0x0  }
0x1f: {  	s9 =	smul.u32 $0xF7A, s1;
	s8 =	simm.s32 @!p0 $0x1BF5;
	p2 =	por !p2, p0  }
0x20: {  	[sflag:s8] =	ssyncset.s32 @!p0 $0xFFFFF086;
	s6 =	sadd.s32 @!p0 s3, s7;
	s7 =	simm.s32 @!p0 $0x108  }
0x21: {  	s3 =	sadd.s32 s3, s9;
	s6 =	sadd.s32 @!p0 $0x88, s6;
	s7 =	simm.s32 @p2 $0x1082  }
0x22: {  	[simem:s7], [sflag:s8] =	dma.local @!p0 [hbm:s6], $0xF7A  }
0x23: {  	s9 =	sor.u32 $0xD0000000, s2;
	s6 =	simm.s32 $0x108;
	_ =	swait.ge @!p0 [sflag:s8], $0x0  }
0x24: {  	s3 =	sadd.s32 $0x88, s3;
	s6 =	simm.s32 @!p1 $0x1082;
	[sflag:s4] =	ssyncset.s32 $0xFFFFF086  }
0x25: {  	[simem:s6], [sflag:s4] =	dma.local [hbm:s3], $0xF7A  }
0x26: {  	[smem:$0x3F9F] =	sst s1;
	(tag) =	ssettag s2;
	_ =	strace s9  }
0x27: {  	s1 =	sld [smem:$0x3FAF]  }
0x28: {  	s2 =	sld [smem:$0x3FB0]  }
0x29: {  	s4 =	sld [smem:$0x3FB2]  }
0x2a: {  	p0 =	seq.s32 s5, $0x0;
	s5 =	sld [smem:$0x3FB3]  }
0x2b: {  	s6 =	sld [smem:$0x3FB4]  }
0x2c: {  	s7 =	sld [smem:$0x3FB5]  }
0x2d: {  	s3 =	simm.s32 $0x108;
	s8 =	sld [smem:$0x3FB6]  }
0x2e: {  	s3 =	simm.s32 @!p0 $0x1082;
	s9 =	sld [smem:$0x3FB7]  }
0x2f: {  	lr =	sadd.s32 s0, s3;
	s0 =	sld [smem:$0x3FAE]  }
0x30: {  	s3 =	sld [smem:$0x3FB1]  }
0x31: {  	[smem:$0x3FBA] =	sst s10  }
0x32: {  	s10 =	sld [smem:$0x3FB8];
	_ =	sdelay $0x3  }
0x33: {  	p0 =	seq.s32 s10, $0x1;
	s10 =	sld [smem:$0x3FBA];
	_ =	sdelay $0x3  }
0x34: {  	[smem:$0x3FBA] =	sst s10  }
0x35: {  	s10 =	sld [smem:$0x3FB9];
	_ =	sdelay $0x3  }
0x36: {  	p1 =	seq.s32 s10, $0x1;
	s10 =	sld [smem:$0x3FBA];
	_ =	sdelay $0x3  }
0x37: {  	[smem:$0x3FBA] =	sst s10  }
0x38: {  	s10 =	sld [smem:$0x3FBB]  }
0x39: {  	_ = 	snop;
	(pc) =	sbr.ind lr, $3  }
0x3a: {  	_ = 	snop  }
0x3b: {  	_ = 	snop  }
0x3c: {  	p2 =	seq.s32 s10, $0x1;
	s10 =	sld [smem:$0x3FBA]  }
0x3d: {  	_ =	shalt  }
0x3e: {  	_ =	shalt  }
0x3f: {  	_ =	shalt  }
0x40: {  	_ =	shalt  }
0x41: {  	_ =	shalt  }
0x42: {  	_ =	shalt  }
0x43: {  	_ =	shalt  }
0x44: {  	_ =	shalt  }
0x45: {  	_ =	shalt  }
0x46: {  	_ =	shalt  }
0x47: {  	_ =	shalt  }
0x48: {  	_ =	shalt  }
0x49: {  	_ =	shalt  }
0x4a: {  	_ =	shalt  }
0x4b: {  	_ =	shalt  }
0x4c: {  	_ =	shalt  }
0x4d: {  	_ =	shalt  }
0x4e: {  	_ =	shalt  }
0x4f: {  	_ =	shalt  }
0x50: {  	_ =	shalt  }
0x51: {  	_ =	shalt  }
0x52: {  	_ =	shalt  }
0x53: {  	_ =	shalt  }
0x54: {  	_ =	shalt  }
0x55: {  	_ =	shalt  }
0x56: {  	_ =	shalt  }
0x57: {  	_ =	shalt  }
0x58: {  	_ =	shalt  }
0x59: {  	_ =	shalt  }
0x5a: {  	_ =	shalt  }
0x5b: {  	_ =	shalt  }
0x5c: {  	_ =	shalt  }
0x5d: {  	_ =	shalt  }
0x5e: {  	_ =	shalt  }
0x5f: {  	_ =	shalt  }
0x60: {  	_ =	shalt  }
0x61: {  	_ =	shalt  }
0x62: {  	_ =	shalt  }
0x63: {  	_ =	shalt  }
0x64: {  	_ =	shalt  }
0x65: {  	_ =	shalt  }
0x66: {  	_ =	shalt  }
0x67: {  	_ =	shalt  }
0x68: {  	_ =	shalt  }
0x69: {  	_ =	shalt  }
0x6a: {  	_ =	shalt  }
0x6b: {  	_ =	shalt  }
0x6c: {  	_ =	shalt  }
0x6d: {  	_ =	shalt  }
0x6e: {  	_ =	shalt  }
0x6f: {  	_ =	shalt  }
0x70: {  	_ =	shalt  }
0x71: {  	_ =	shalt  }
0x72: {  	_ =	shalt  }
0x73: {  	_ =	shalt  }
0x74: {  	_ =	shalt  }
0x75: {  	_ =	shalt  }
0x76: {  	_ =	shalt  }
0x77: {  	_ =	shalt  }
0x78: {  	_ =	shalt  }
0x79: {  	_ =	shalt  }
0x7a: {  	_ =	shalt  }
0x7b: {  	_ =	shalt  }
0x7c: {  	_ =	shalt  }
0x7d: {  	_ =	shalt  }
0x7e: {  	_ =	shalt  }
0x7f: {  	_ =	shalt  }
0x80: {  	_ =	shalt  }
0x81: {  	_ =	shalt  }
0x82: {  	_ =	shalt  }
0x83: {  	_ =	shalt  }
0x84: {  	_ =	shalt  }
0x85: {  	_ =	shalt  }
0x86: {  	_ =	shalt  }
0x87: {  	_ =	shalt  }
.Lfunc_end0:
.L_simem_size_0:
called_computation_lowered:
.L_overlay_start_0:
0x88: {  	s2 =	sld [smem:$0x3FD9]  }
0x89: {  	s3 =	sld [smem:$0x3FFE];
	_ =	sdelay $0x1  }
0x8a: {  	s1 =	srdreg.scid  }
0x8b: {  	s0 =	sand.u32 $0x1, s1  }
0x8c: {  	s14 =	sshll.u32 s0, $0xA;
	s2 =	sadd.s32 s3, s2  }
0x8d: {  	s2 =	sadd.s32 s2, s14  }
0x8e: {  	[smem:$0x3FC6] =	sst s2  }
0x8f: {  	_ = 	snop  }
0x90: {  	s2 =	sld [smem:$0x3FD0];
	_ =	sdelay $0x2  }
0x91: {  	s4 =	simm.s32 $0xA;
	s5 =	simm.s32 $0x10;
	s15 =	sld [smem:$0x3FC9]  }
0x92: {  	[smem:s5], [sflag:s4] =	dma.local [hbm:s2], $0x1  }
0x93: {  	_ =	swait.eq [sflag:s4], $0x1  }
0x94: {  	[sflag:s4] =	ssyncset.done $0x0  }
0x95: {  	[sflag:s4] =	ssyncadd.s32 $0xFFFFFFFF  }
0x96: {  	s16 =	sld [smem:$0x10];
	(tm) =	ssettm $0x1  }
0x97: {  	s17 =	sld [smem:$0x3FFB];
	_ =	sdelay $0x3  }
0x98: {  	_ =	strace s17  }
0x99: {  	s4 =	sld [smem:$0x3FFC];
	_ =	sdelay $0x3  }
0x9a: {  	_ =	strace s4  }
0x9b: {  	s4 =	sld [smem:$0x3FFD];
	_ =	sdelay $0x3  }
0x9c: {  	_ =	strace s4  }
0x9d: {  	_ =	strace $0x8FFFFFFF  }
0x9e: {  	s18 =	sld [smem:$0x3FDB];
	_ =	sdelay $0x1  }
0x9f: {  	s19 =	simm.s32 $_scs_section_size  }
0xa0: {  	s6 =	simm.s32 $_size__tile_overlayer_lowered;
	s7 =	simm.s32 $_tile_overlayer_lowered  }
0xa1: {  	s22 =	simm.s32 $0x1BFF;
	s21 =	sshll.u32 s7, $0x1;
	s4 =	sadd.s32 s19, s18  }
0xa2: {  	s8 =	simm.s32 $0x0;
	s20 =	sshll.u32 s6, $0x1;
	s6 =	sadd.s32 s21, s4  }
0xa3: {  	[timem:s8], [sflag:s22] =	dma.local [hbm:s6], s20  }
0xa4: {  	_ =	swait.ge [sflag:s22], s20  }
0xa5: {  	s5 =	ssub.s32 $0x0, s20;
	[sflag:s22] =	ssyncset.done $0x0  }
0xa6: {  	[sflag:s22] =	ssyncadd.s32 s5;
	_ =	sdelay $0x1  }
0xa7: {  	s23 =	simm.s32 $0x1B8B  }
0xa8: {  	_ =	swait.ge [sflag:s23], $0x1  }
0xa9: {  	[sflag:s23] =	ssyncset.done $0x0  }
0xaa: {  	s25 =	simm.s32 $0x1B8E;
	s24 =	sld [smem:$0x3FFE];
	[sflag:s23] =	ssyncadd.s32 $0xFFFFFFFF  }
0xab: {  	s26 =	simm.s32 $execute0_lowered;
	[smem:$0x3FD2] =	sst s25  }
0xac: {  	s6 =	sshll.u32 s26, $0x1;
	_ =	strace $0x80000046;
	[dreg:$0x1] =	wrdreg $0xFFFFFFFF  }
0xad: {  	s28 =	simm.s32 $_size_execute0_lowered;
	s4 =	sadd.s32 s4, s6;
	[dreg:$0x0] =	wrdreg $0x0  }
0xae: {  	s6 =	sshll.u32 s28, $0x1;
	[dreg:$0x2] =	wrdreg s4  }
0xaf: {  	[dreg:$0x3] =	wrdreg s6  }
0xb0: {  	[dreg:$0x4] =	wrdreg $0xC0  }
0xb1: {  	_ =	task [dreg:s8], $0x5FFFF  }
0xb2: {  	[dreg:$0x1] =	wrdreg $0xFFFFFFFF  }
0xb3: {  	[dreg:$0x0] =	wrdreg $0x60  }
0xb4: {  	[dreg:$0x2] =	wrdreg s15  }
0xb5: {  	[dreg:$0x3] =	wrdreg s24  }
0xb6: {  	[dreg:$0x4] =	wrdreg s16  }
0xb7: {  	[dreg:$0x5] =	wrdreg $0x9  }
0xb8: {  	_ =	task.clear_ibuf [dreg:s8], $0x6FFFF;
	_ =	strace $0x90000046  }
0xb9: {  	s29 =	simm.s32 $0x9;
	_ =	strace $0x80000048  }
0xba: {  	_ =	swait.ge [sflag:s29], $0x1  }
0xbb: {  	[sflag:s29] =	ssyncadd.s32 $0xFFFFFFFF  }
0xbc: {  	_ =	strace $0x90000048  }
0xbd: {  	_ =	sfence  }
0xbe: {  	s30 =	sld [smem:$0x0];
	_ =	sdelay $0x2  }
0xbf: {  	s31 =	sshll.u32 s1, $0xD;
	s1 =	sshrl.u32 s1, $0x2  }
0xc0: {  	s3 =	sand.u32 $0x4000, s31;
	s1 =	sadd.s32 s1, s30  }
0xc1: {  	s0 =	sor.u32 s3, s0;
	s1 =	sshll.u32 s1, $0x11  }
0xc2: {  	s0 =	sor.u32 s1, s0  }
0xc3: {  	s0 =	sadd.s32 $0x8F2B, s0  }
0xc4: {  	[sflag:s0] =	ssyncadd.remote.s32 $0x1  }
0xc5: {  	_ =	sfence.sel $0xFFFF  }
0xc6: {  	[dreg:$0x0] =	wrdreg $0xFFFFFFFF;
	(pc) =	sbr.abs _section_cstart, $3  }
0xc7: {  	[dreg:$0x1] =	wrdreg $0xFFFFFFFF  }
0xc8: {  	_ =	task.clear_ibuf [dreg:s8], $0x2FFFF;
	_ =	strace $0x9FFFFFFF  }
0xc9: {  	(tm) =	ssettm $0x7FFFFFFF  }
tec
execute0_lowered:
.L_overlay_start_1:
0x0: {  	(tag) =	ssettag $0x1  }
0x1: {  	s1 =	rddreg [dreg:$0x0]  }
0x2: {  	s0 =	srdreg.scid;
	s2 =	rddreg [dreg:$0x1]  }
0x3: {  	s13 =	stileid.u32;
	s4 =	rddreg [dreg:$0x2];
	s15 =	simm.s32 $0x7  }
0x4: {  	s16 =	simm.s32 $0x80;
	s17 =	simm.s32 $0x6400;
	s18 =	simm.s32 $0xA400  }
0x5: {  	s20 =	simm.s32 $0xE400;
	s22 =	simm.s32 $0x12400;
	s10 =	smul.u32 $0x640000, s13  }
0x6: {  	s0 =	sand.u32 $0x1, s0;
	s3 =	sshll.u32 s13, $0x1;
	s13 =	smul.u32 $0xC8000, s13  }
0x7: {  	s28 =	simm.s32 $0x1A400;
	s29 =	simm.s32 $0x2;
	s11 =	smul.u32 $0x320000, s0  }
0x8: {  	s5 =	sor.u32 s0, s3;
	s7 =	ssub.s32 $0x2, s0;
	s0 =	smul.u32 $0x64000, s0  }
0x9: {  	s30 =	simm.s32 $0x4;
	s19 =	simm.s32 $0x5;
	s6 =	smul.u32 $0xC80, s5  }
0xa: {  	s31 =	simm.s32 $0x0;
	s3 =	simm.s32 $0x0;
	s8 =	smul.u32 $0x64000, s5  }
0xb: {  	[smem:$0x7FF] =	sst s3;
	s23 =	sshrl.u32 s7, $0x1;
	s9 =	smul.u32 $0x320000, s5  }
0xc: {  	s13 =	sadd.s32 s13, s4;
	_ =	strace $0x80000047;
	s12 =	ssub.s32 s7, s23  }
0xd: {  	s11 =	sadd.s32 s11, s10;
	s0 =	sadd.s32 s0, s13;
	s23 =	simm.s32 $0x1  }
0xe: {  	s2 =	sadd.s32 s6, s2;
	s5 =	sadd.s32 s4, s8;
	s24 =	sshrl.u32 s9, $0x3  }
0xf: {  	s14 =	sadd.s32 $0x28000, s11;
	s12 =	smax.u32 s12, $0x1;
	s13 =	sadd.s32 $0x4000, s0  }
0x10: {  	s0 =	simm.s32 $0x3;
	s2 =	sadd.s32 $0x20600, s2;
	s25 =	sadd.s32 $0x1000, s5  }
0x11: {  	s7 =	sadd.s32 $0x2000, s5;
	s26 =	sshrl.u32 s14, $0x3;
	[dreg:$0x4] =	wrdreg s2  }
0x12: {  	[dreg:$0x5] =	wrdreg s25;
	s2 =	sadd.s32 s4, s24;
	s14 =	sadd.s32 s26, s4  }
0x13: {  	s25 =	simm.s32 $0x16400;
	s26 =	simm.s32 $0x6;
	s8 =	sadd.s32 $0x60000, s2  }
0x14: {  	s9 =	sadd.s32 $0x61000, s2;
	s10 =	sadd.s32 $0x62000, s2;
	s11 =	sadd.s32 $0x63000, s2  }
.LBB2_1:
0x15: {  	s2 =	rddreg [dreg:$0x4]  }
0x16: {  	[tilespmem:s3], [sflag:$0x7] =	stream.linear.gather [hbm4b:s2+s3], $0x6400, $0x38;
	[tilespmem:$0x1E400] =	vst v63  }
0x17: {  	_ =	swait.ge [sflag:s15], $0x6400  }
0x18: {  	[sflag:s15] =	ssyncset.done $0x0  }
0x19: {  	[sflag:s15] =	ssyncadd.s32 $0xFFFF9C00  }
0x1a: {  	[tilespmem:s17], [sflag:$0x1] =	stream.indirect.gather [hbm4b:s1+s16], $0x80, s3, s16, $0xb8;
	[tilespmem:$0x1E400] =	vst v63  }
0x1b: {  	_ = 	snop  }
0x1c: {  	[tilespmem:s18], [sflag:$0x1] =	stream.indirect.gather [hbm4b:s1+s16], $0x80, s16, s16, $0xb8;
	[tilespmem:$0x1E400] =	vst v63  }
0x1d: {  	s6 =	simm.s32 $0x100  }
0x1e: {  	[tilespmem:s20], [sflag:$0x2] =	stream.indirect.gather [hbm4b:s1+s16], $0x80, s6, s16, $0xb8;
	[tilespmem:$0x1E400] =	vst v63  }
0x1f: {  	s21 =	simm.s32 $0x180  }
0x20: {  	[tilespmem:s22], [sflag:$0x2] =	stream.indirect.gather [hbm4b:s1+s16], $0x80, s21, s16, $0xb8;
	[tilespmem:$0x1E400] =	vst v63  }
0x21: {  	_ =	swait.ge [sflag:s23], $0x4000  }
0x22: {  	[sflag:s23] =	ssyncset.done $0x0  }
0x23: {  	[sflag:s23] =	ssyncadd.s32 $0xFFFFC000  }
0x24: {  	_ =	swait.ge [sflag:s23], $0x4000  }
0x25: {  	[sflag:s23] =	ssyncset.done $0x0  }
0x26: {  	[sflag:s23] =	ssyncadd.s32 $0xFFFFC000  }
0x27: {  	[hbm4b:s5+s3] =	stream.linear.scatter [tilespmem:s17], [sflag:$0x4], $0x8000, $0x38;
	[tilespmem:$0x1E400] =	vst v63  }
0x28: {  	s24 =	simm.s32 $0x200  }
0x29: {  	[tilespmem:s25], [sflag:$0x3] =	stream.indirect.gather [hbm4b:s1+s16], $0x80, s24, s16, $0xb8;
	[tilespmem:$0x1E400] =	vst v63  }
0x2a: {  	s4 =	simm.s32 $0x280  }
0x2b: {  	[tilespmem:s28], [sflag:$0x3] =	stream.indirect.gather [hbm4b:s1+s16], $0x80, s4, s16, $0xb8;
	[tilespmem:$0x1E400] =	vst v63  }
0x2c: {  	_ =	swait.ge [sflag:s29], $0x4000  }
0x2d: {  	[sflag:s29] =	ssyncset.done $0x0  }
0x2e: {  	[sflag:s29] =	ssyncadd.s32 $0xFFFFC000  }
0x2f: {  	_ =	swait.ge [sflag:s29], $0x4000  }
0x30: {  	[sflag:s29] =	ssyncset.done $0x0  }
0x31: {  	s6 =	rddreg [dreg:$0x5];
	[sflag:s29] =	ssyncadd.s32 $0xFFFFC000  }
0x32: {  	[hbm4b:s6+s3] =	stream.linear.scatter [tilespmem:s20], [sflag:$0x5], $0x8000, $0x38;
	[tilespmem:$0x1E400] =	vst v63  }
0x33: {  	_ =	swait.ge [sflag:s30], $0x8000  }
0x34: {  	[sflag:s30] =	ssyncset.done $0x0  }
0x35: {  	s21 =	simm.s32 $0x300;
	[sflag:s30] =	ssyncadd.s32 $0xFFFF8000  }
0x36: {  	[tilespmem:s17], [sflag:$0x1] =	stream.indirect.gather [hbm4b:s1+s16], $0x80, s21, s16, $0xb8;
	[tilespmem:$0x1E400] =	vst v63  }
0x37: {  	s24 =	simm.s32 $0x380  }
0x38: {  	[tilespmem:s18], [sflag:$0x1] =	stream.indirect.gather [hbm4b:s1+s16], $0x80, s24, s16, $0xb8;
	[tilespmem:$0x1E400] =	vst v63  }
0x39: {  	_ =	swait.ge [sflag:s0], $0x4000  }
0x3a: {  	[sflag:s0] =	ssyncset.done $0x0  }
0x3b: {  	[sflag:s0] =	ssyncadd.s32 $0xFFFFC000  }
0x3c: {  	_ =	swait.ge [sflag:s0], $0x4000  }
0x3d: {  	[sflag:s0] =	ssyncset.done $0x0  }
0x3e: {  	[sflag:s0] =	ssyncadd.s32 $0xFFFFC000  }
0x3f: {  	[hbm4b:s7+s3] =	stream.linear.scatter [tilespmem:s25], [sflag:$0x6], $0x8000, $0x38;
	[tilespmem:$0x1E400] =	vst v63  }
0x40: {  	_ =	swait.ge [sflag:s19], $0x8000  }
0x41: {  	[sflag:s19] =	ssyncset.done $0x0  }
0x42: {  	s4 =	simm.s32 $0x400;
	[sflag:s19] =	ssyncadd.s32 $0xFFFF8000  }
0x43: {  	[tilespmem:s20], [sflag:$0x2] =	stream.indirect.gather [hbm4b:s1+s16], $0x80, s4, s16, $0xb8;
	[tilespmem:$0x1E400] =	vst v63  }
0x44: {  	s6 =	simm.s32 $0x480  }
0x45: {  	[tilespmem:s22], [sflag:$0x2] =	stream.indirect.gather [hbm4b:s1+s16], $0x80, s6, s16, $0xb8;
	[tilespmem:$0x1E400] =	vst v63  }
0x46: {  	_ =	swait.ge [sflag:s23], $0x4000  }
0x47: {  	[sflag:s23] =	ssyncset.done $0x0  }
0x48: {  	[sflag:s23] =	ssyncadd.s32 $0xFFFFC000  }
0x49: {  	_ =	swait.ge [sflag:s23], $0x4000  }
0x4a: {  	[sflag:s23] =	ssyncset.done $0x0  }
0x4b: {  	s21 =	sadd.s32 $0xFFFFF000, s13;
	[sflag:s23] =	ssyncadd.s32 $0xFFFFC000  }
0x4c: {  	[hbm4b:s21+s3] =	stream.linear.scatter [tilespmem:s17], [sflag:$0x4], $0x8000, $0x38;
	[tilespmem:$0x1E400] =	vst v63  }
0x4d: {  	_ =	swait.ge [sflag:s26], $0x8000  }
0x4e: {  	[sflag:s26] =	ssyncset.done $0x0  }
0x4f: {  	s24 =	simm.s32 $0x500;
	[sflag:s26] =	ssyncadd.s32 $0xFFFF8000  }
0x50: {  	[tilespmem:s25], [sflag:$0x3] =	stream.indirect.gather [hbm4b:s1+s16], $0x80, s24, s16, $0xb8;
	[tilespmem:$0x1E400] =	vst v63  }
0x51: {  	s4 =	simm.s32 $0x580  }
0x52: {  	[tilespmem:s28], [sflag:$0x3] =	stream.indirect.gather [hbm4b:s1+s16], $0x80, s4, s16, $0xb8;
	[tilespmem:$0x1E400] =	vst v63  }
0x53: {  	_ =	swait.ge [sflag:s29], $0x4000  }
0x54: {  	[sflag:s29] =	ssyncset.done $0x0  }
0x55: {  	[sflag:s29] =	ssyncadd.s32 $0xFFFFC000  }
0x56: {  	_ =	swait.ge [sflag:s29], $0x4000  }
0x57: {  	[sflag:s29] =	ssyncset.done $0x0  }
0x58: {  	[sflag:s29] =	ssyncadd.s32 $0xFFFFC000  }
0x59: {  	[hbm4b:s13+s3] =	stream.linear.scatter [tilespmem:s20], [sflag:$0x5], $0x8000, $0x38;
	[tilespmem:$0x1E400] =	vst v63  }
0x5a: {  	_ =	swait.ge [sflag:s30], $0x8000  }
0x5b: {  	[sflag:s30] =	ssyncset.done $0x0  }
0x5c: {  	s6 =	simm.s32 $0x600;
	[sflag:s30] =	ssyncadd.s32 $0xFFFF8000  }
0x5d: {  	[tilespmem:s17], [sflag:$0x1] =	stream.indirect.gather [hbm4b:s1+s16], $0x80, s6, s16, $0xb8;
	[tilespmem:$0x1E400] =	vst v63  }
0x5e: {  	s21 =	simm.s32 $0x680  }
0x5f: {  	[tilespmem:s18], [sflag:$0x1] =	stream.indirect.gather [hbm4b:s1+s16], $0x80, s21, s16, $0xb8;
	[tilespmem:$0x1E400] =	vst v63  }
0x60: {  	_ =	swait.ge [sflag:s0], $0x4000  }
0x61: {  	[sflag:s0] =	ssyncset.done $0x0  }
0x62: {  	[sflag:s0] =	ssyncadd.s32 $0xFFFFC000  }
0x63: {  	_ =	swait.ge [sflag:s0], $0x4000  }
0x64: {  	[sflag:s0] =	ssyncset.done $0x0  }
0x65: {  	[sflag:s0] =	ssyncadd.s32 $0xFFFFC000  }
0x66: {  	[hbm4b:s14+s3] =	stream.linear.scatter [tilespmem:s25], [sflag:$0x6], $0x8000, $0x38;
	[tilespmem:$0x1E400] =	vst v63  }
0x67: {  	_ =	swait.ge [sflag:s19], $0x8000  }
0x68: {  	[sflag:s19] =	ssyncset.done $0x0  }
0x69: {  	s2 =	simm.s32 $0xC00;
	s24 =	simm.s32 $0x700;
	[sflag:s19] =	ssyncadd.s32 $0xFFFF8000  }
0x6a: {  	[tilespmem:s20], [sflag:$0x2] =	stream.indirect.gather [hbm4b:s1+s16], $0x80, s24, s16, $0xb8;
	[tilespmem:$0x1E400] =	vst v63  }
0x6b: {  	s4 =	simm.s32 $0x780;
	s21 =	sadd.s32 $0x3000, s13;
	s24 =	sadd.s32 $0x3000, s14  }
.LBB2_2:
0x6c: {  	[tilespmem:s22], [sflag:$0x2] =	stream.indirect.gather [hbm4b:s1+s16], $0x80, s4, s16, $0xb8;
	[tilespmem:$0x1E400] =	vst v63  }
0x6d: {  	s4 =	smov.u32 s2  }
0x6e: {  	p0 =	sne.s32 s2, $0x16800;
	s2 =	sadd.s32 $0xC00, s2;
	_ =	swait.ge [sflag:s23], $0x4000  }
0x6f: {  	[sflag:s23] =	ssyncset.done $0x0  }
0x70: {  	[sflag:s23] =	ssyncadd.s32 $0xFFFFC000  }
0x71: {  	_ =	swait.ge [sflag:s23], $0x4000  }
0x72: {  	[sflag:s23] =	ssyncset.done $0x0  }
0x73: {  	s6 =	sadd.s32 $0xFFFFF000, s21;
	[sflag:s23] =	ssyncadd.s32 $0xFFFFC000  }
0x74: {  	[hbm4b:s6+s3] =	stream.linear.scatter [tilespmem:s17], [sflag:$0x4], $0x8000, $0x38;
	[tilespmem:$0x1E400] =	vst v63  }
0x75: {  	_ =	swait.ge [sflag:s26], $0x8000  }
0x76: {  	s4 =	sshra.s32 s4, $0x2;
	[sflag:s26] =	ssyncset.done $0x0  }
0x77: {  	s6 =	sadd.s32 $0x500, s4;
	[sflag:s26] =	ssyncadd.s32 $0xFFFF8000  }
0x78: {  	[tilespmem:s25], [sflag:$0x3] =	stream.indirect.gather [hbm4b:s1+s16], $0x80, s6, s16, $0xb8;
	[tilespmem:$0x1E400] =	vst v63  }
0x79: {  	s6 =	sadd.s32 $0x580, s4  }
0x7a: {  	[tilespmem:s28], [sflag:$0x3] =	stream.indirect.gather [hbm4b:s1+s16], $0x80, s6, s16, $0xb8;
	[tilespmem:$0x1E400] =	vst v63  }
0x7b: {  	_ =	swait.ge [sflag:s29], $0x4000  }
0x7c: {  	[sflag:s29] =	ssyncset.done $0x0  }
0x7d: {  	[sflag:s29] =	ssyncadd.s32 $0xFFFFC000  }
0x7e: {  	_ =	swait.ge [sflag:s29], $0x4000  }
0x7f: {  	[sflag:s29] =	ssyncset.done $0x0  }
0x80: {  	[sflag:s29] =	ssyncadd.s32 $0xFFFFC000  }
0x81: {  	[hbm4b:s21+s3] =	stream.linear.scatter [tilespmem:s20], [sflag:$0x5], $0x8000, $0x38;
	[tilespmem:$0x1E400] =	vst v63  }
0x82: {  	_ =	swait.ge [sflag:s30], $0x8000  }
0x83: {  	[sflag:s30] =	ssyncset.done $0x0  }
0x84: {  	s6 =	sadd.s32 $0x600, s4;
	[sflag:s30] =	ssyncadd.s32 $0xFFFF8000  }
0x85: {  	[tilespmem:s17], [sflag:$0x1] =	stream.indirect.gather [hbm4b:s1+s16], $0x80, s6, s16, $0xb8;
	[tilespmem:$0x1E400] =	vst v63  }
0x86: {  	s6 =	sadd.s32 $0x680, s4  }
0x87: {  	[tilespmem:s18], [sflag:$0x1] =	stream.indirect.gather [hbm4b:s1+s16], $0x80, s6, s16, $0xb8;
	[tilespmem:$0x1E400] =	vst v63  }
0x88: {  	_ =	swait.ge [sflag:s0], $0x4000  }
0x89: {  	[sflag:s0] =	ssyncset.done $0x0  }
0x8a: {  	[sflag:s0] =	ssyncadd.s32 $0xFFFFC000  }
0x8b: {  	_ =	swait.ge [sflag:s0], $0x4000  }
0x8c: {  	[sflag:s0] =	ssyncset.done $0x0  }
0x8d: {  	[sflag:s0] =	ssyncadd.s32 $0xFFFFC000  }
0x8e: {  	[hbm4b:s24+s3] =	stream.linear.scatter [tilespmem:s25], [sflag:$0x6], $0x8000, $0x38;
	[tilespmem:$0x1E400] =	vst v63  }
.Ltmp0:
0x8f: {  	_ =	swait.ge [sflag:s19], $0x8000;
	(pc) =	sbr.rel @p0 .LBB2_2-.Ltmp0, $4  }
0x90: {  	[sflag:s19] =	ssyncset.done $0x0  }
0x91: {  	s6 =	sadd.s32 $0x700, s4;
	[sflag:s19] =	ssyncadd.s32 $0xFFFF8000  }
0x92: {  	[tilespmem:s20], [sflag:$0x2] =	stream.indirect.gather [hbm4b:s1+s16], $0x80, s6, s16, $0xb8;
	[tilespmem:$0x1E400] =	vst v63  }
0x93: {  	s21 =	sadd.s32 $0x3000, s21;
	s4 =	sadd.s32 $0x780, s4;
	s24 =	sadd.s32 $0x3000, s24  }
0x94: {  	[tilespmem:s22], [sflag:$0x2] =	stream.indirect.gather [hbm4b:s1+s16], $0x80, s4, s16, $0xb8;
	[tilespmem:$0x1E400] =	vst v63  }
0x95: {  	_ =	swait.ge [sflag:s23], $0x4000  }
0x96: {  	[sflag:s23] =	ssyncset.done $0x0  }
0x97: {  	[sflag:s23] =	ssyncadd.s32 $0xFFFFC000  }
0x98: {  	_ =	swait.ge [sflag:s23], $0x4000  }
0x99: {  	[sflag:s23] =	ssyncset.done $0x0  }
0x9a: {  	[sflag:s23] =	ssyncadd.s32 $0xFFFFC000  }
0x9b: {  	[hbm4b:s8+s3] =	stream.linear.scatter [tilespmem:s17], [sflag:$0x4], $0x8000, $0x38;
	[tilespmem:$0x1E400] =	vst v63  }
0x9c: {  	_ =	swait.ge [sflag:s26], $0x8000  }
0x9d: {  	[sflag:s26] =	ssyncset.done $0x0  }
0x9e: {  	s2 =	simm.s32 $0x6200;
	[sflag:s26] =	ssyncadd.s32 $0xFFFF8000  }
0x9f: {  	[tilespmem:s25], [sflag:$0x3] =	stream.indirect.gather [hbm4b:s1+s16], $0x80, s2, s16, $0xb8;
	[tilespmem:$0x1E400] =	vst v63  }
0xa0: {  	s6 =	simm.s32 $0x6280  }
0xa1: {  	[tilespmem:s28], [sflag:$0x3] =	stream.indirect.gather [hbm4b:s1+s16], $0x80, s6, s16, $0xb8;
	[tilespmem:$0x1E400] =	vst v63  }
0xa2: {  	_ =	swait.ge [sflag:s29], $0x4000  }
0xa3: {  	[sflag:s29] =	ssyncset.done $0x0  }
0xa4: {  	[sflag:s29] =	ssyncadd.s32 $0xFFFFC000  }
0xa5: {  	_ =	swait.ge [sflag:s29], $0x4000  }
0xa6: {  	[sflag:s29] =	ssyncset.done $0x0  }
0xa7: {  	[sflag:s29] =	ssyncadd.s32 $0xFFFFC000  }
0xa8: {  	[hbm4b:s9+s3] =	stream.linear.scatter [tilespmem:s20], [sflag:$0x5], $0x8000, $0x38;
	[tilespmem:$0x1E400] =	vst v63  }
0xa9: {  	_ =	swait.ge [sflag:s30], $0x8000  }
0xaa: {  	[sflag:s30] =	ssyncset.done $0x0  }
0xab: {  	s21 =	simm.s32 $0x6300;
	[sflag:s30] =	ssyncadd.s32 $0xFFFF8000  }
0xac: {  	[tilespmem:s17], [sflag:$0x1] =	stream.indirect.gather [hbm4b:s1+s16], $0x80, s21, s16, $0xb8;
	[tilespmem:$0x1E400] =	vst v63  }
0xad: {  	s24 =	simm.s32 $0x6380  }
0xae: {  	[tilespmem:s18], [sflag:$0x1] =	stream.indirect.gather [hbm4b:s1+s16], $0x80, s24, s16, $0xb8;
	[tilespmem:$0x1E400] =	vst v63  }
0xaf: {  	_ =	swait.ge [sflag:s0], $0x4000  }
0xb0: {  	[sflag:s0] =	ssyncset.done $0x0  }
0xb1: {  	[sflag:s0] =	ssyncadd.s32 $0xFFFFC000  }
0xb2: {  	_ =	swait.ge [sflag:s0], $0x4000  }
0xb3: {  	[sflag:s0] =	ssyncset.done $0x0  }
0xb4: {  	[sflag:s0] =	ssyncadd.s32 $0xFFFFC000  }
0xb5: {  	[hbm4b:s10+s3] =	stream.linear.scatter [tilespmem:s25], [sflag:$0x6], $0x8000, $0x38;
	[tilespmem:$0x1E400] =	vst v63  }
0xb6: {  	_ =	swait.ge [sflag:s23], $0x4000  }
0xb7: {  	[sflag:s23] =	ssyncset.done $0x0  }
0xb8: {  	[sflag:s23] =	ssyncadd.s32 $0xFFFFC000  }
0xb9: {  	_ =	swait.ge [sflag:s23], $0x4000  }
0xba: {  	[sflag:s23] =	ssyncset.done $0x0  }
0xbb: {  	[sflag:s23] =	ssyncadd.s32 $0xFFFFC000  }
0xbc: {  	[hbm4b:s11+s3] =	stream.linear.scatter [tilespmem:s17], [sflag:$0x4], $0x8000, $0x38;
	[tilespmem:$0x1E400] =	vst v63  }
0xbd: {  	_ =	swait.ge [sflag:s30], $0x8000  }
0xbe: {  	[sflag:s30] =	ssyncset.done $0x0  }
0xbf: {  	s31 =	sadd.s32 $0x1, s31;
	[sflag:s30] =	ssyncadd.s32 $0xFFFF8000  }
0xc0: {  	p0 =	sne.s32 s31, s12;
	_ =	swait.ge [sflag:s19], $0x8000  }
.Ltmp1:
0xc1: {  	[sflag:s19] =	ssyncset.done $0x0;
	(pc) =	sbr.rel @p0 .LBB2_1-.Ltmp1, $4  }
0xc2: {  	[sflag:s19] =	ssyncadd.s32 $0xFFFF8000  }
0xc3: {  	_ =	swait.ge [sflag:s26], $0x8000  }
0xc4: {  	[sflag:s26] =	ssyncset.done $0x0  }
0xc5: {  	[sflag:s26] =	ssyncadd.s32 $0xFFFF8000  }
0xc6: {  	_ =	sfence.sel $0x180000  }
0xc7: {  	[bflag:$0x0] =	sbarrier.arrive $0xFFFF  }
0xc8: {  	_ =	strace $0x90000047  }
0xc9: {  	s0 =	stileid.u32;
	[bflag:$0x2] =	sbarrier.arrive $0xFFFF  }
0xca: {  	p0 =	sne.s32 s0, $0x0;
	s0 =	rddreg [dreg:$0x3]  }
0xcb: {  	s0 =	sadd.s32 @!p0 $0x100000, s0  }
0xcc: {  	[sflag:s0] =	ssyncadd.tile.s32 @!p0 $0x1;
	_ =	shalt  }
.Lfunc_end2:
_tile_overlayer_lowered:
.L_overlay_start_2:
0xcd: {  	(tag) =	ssettag $0x2  }
0xce: {  	s0 =	rddreg [dreg:$0x0];
	s2 =	stileid.u32  }
0xcf: {  	s1 =	rddreg [dreg:$0x1];
	p0 =	sne.s32 s2, $0x0  }
0xd0: {  	s3 =	rddreg [dreg:$0x2];
	[bflag:$0x3] =	sbarrier.arrive $0xFFFF;
	s2 =	simm.s32 @!p0 $0x1C07  }
0xd1: {  	[timem:s3], [sflag:s2] =	dma.local @!p0 [hbm:s0], s1  }
0xd2: {  	s0 =	simm.s32 @!p0 $0x7  }
0xd3: {  	_ =	swait.ge @!p0 [sflag:s0], s1  }
0xd4: {  	s1 =	ssub.s32 @!p0 $0x0, s1;
	[sflag:s0] =	ssyncset.done @!p0 $0x0  }
0xd5: {  	[sflag:s0] =	ssyncadd.s32 @!p0 s1  }
0xd6: {  	[bflag:$0x3] =	sbarrier.arrive $0xFFFF  }
0xd7: {  	_ =	shalt  }

</sc_bundles>
